<compile_context>
chip_gen: v7x
topology: tpu7x:2x2x1
jax: 0.10.2.dev20260603
libtpu: 0.0.44.dev20260713+nightly
codegen_flags: <defaults>
</compile_context>

<pallas_src>
import functools

import jax
import jax.numpy as jnp
from jax import lax
from jax.experimental import pallas as pl
from jax.experimental.pallas import tpu as pltpu
from jax.experimental.pallas import tpu_sc as plsc

N = 10000
E = 320000
D = 128
B = 50
NT = 12

NC = 2
NS = 16
NW = NC * NS
EW = E // NW
CHUNK = 40
NCHUNK = EW // CHUNK
NBLK = 5
CPB = NCHUNK // NBLK
RING = 5
NGRP = CPB // RING
RPT = 624
TAIL = N - NS * RPT
BP = 64
HIGH = lax.Precision.HIGHEST


def _edge_agg_body(zeros_hbm, src_hbm, dst_hbm, x_hbm, out_hbm,
                   agg_sh, src_v, dst_v, r0, r1, r2, r3, r4,
                   g0, g1, g2, g3, g4, s0, s1, s2, s3, s4):
    rows = [r0, r1, r2, r3, r4]
    gsem = [g0, g1, g2, g3, g4]
    ssem = [s0, s1, s2, s3, s4]
    c = lax.axis_index("c")
    s = lax.axis_index("s")
    wid = s * NC + c
    rbase = s * RPT

    pltpu.sync_copy(zeros_hbm.at[pl.ds(rbase, RPT)],
                    agg_sh.at[pl.ds(rbase, RPT)])
    @pl.when(s == NS - 1)
    def _():
        pltpu.sync_copy(zeros_hbm.at[pl.ds(NS * RPT, TAIL)],
                        agg_sh.at[pl.ds(NS * RPT, TAIL)])
    plsc.subcore_barrier()

    def blk_body(blk, _):
        base = wid * EW + blk * (CPB * CHUNK)
        pltpu.sync_copy(src_hbm.at[pl.ds(base, CPB * CHUNK)], src_v)
        pltpu.sync_copy(dst_hbm.at[pl.ds(base, CPB * CHUNK)], dst_v)
        for k in range(RING):
            pltpu.async_copy(
                x_hbm.at[src_v.at[pl.ds(k * CHUNK, CHUNK)]], rows[k], gsem[k])

        def grp(g, _):
            scat = []
            for k in range(RING):
                j = RING * g + k
                pltpu.make_async_copy(
                    x_hbm.at[src_v.at[pl.ds(j * CHUNK, CHUNK)]],
                    rows[k], gsem[k]).wait()
                scat.append(pltpu.async_copy(
                    rows[k], agg_sh.at[dst_v.at[pl.ds(j * CHUNK, CHUNK)]],
                    ssem[k], add=True))
            for k in range(RING):
                scat[k].wait()
                @pl.when(g < NGRP - 1)
                def _():
                    jn = RING * g + k + RING
                    pltpu.async_copy(
                        x_hbm.at[src_v.at[pl.ds(jn * CHUNK, CHUNK)]],
                        rows[k], gsem[k])
            return 0

        lax.fori_loop(0, NGRP, grp, 0)
        return 0

    lax.fori_loop(0, NBLK, blk_body, 0)
    plsc.subcore_barrier()

    pltpu.sync_copy(agg_sh.at[pl.ds(rbase, RPT)],
                    out_hbm.at[c, pl.ds(rbase, RPT)])
    @pl.when(s == NS - 1)
    def _():
        pltpu.sync_copy(agg_sh.at[pl.ds(NS * RPT, TAIL)],
                        out_hbm.at[c, pl.ds(NS * RPT, TAIL)])


@functools.cache
def _edge_agg_call():
    mesh = plsc.VectorSubcoreMesh(
        core_axis_name="c", subcore_axis_name="s",
        num_cores=NC, num_subcores=NS)
    return pl.kernel(
        _edge_agg_body,
        out_type=jax.ShapeDtypeStruct((NC, N, D), jnp.float32),
        mesh=mesh,
        scratch_types=(
            [pltpu.VMEM_SHARED((N, D), jnp.float32)]
            + [pltpu.VMEM((CPB * CHUNK,), jnp.int32)] * 2
            + [pltpu.VMEM((CHUNK, D), jnp.float32)] * RING
            + [pltpu.SemaphoreType.DMA] * (2 * RING)
        ),
    )


def _xw_body(x_ref, w1s_ref, xw_ref):
    xw_ref[...] = jax.lax.dot(x_ref[...], w1s_ref[...], precision=HIGH,
                              preferred_element_type=jnp.float32)


_xw_call = pl.pallas_call(
    _xw_body, out_shape=jax.ShapeDtypeStruct((N, D), jnp.float32))


def _conv_body(xw_ref, aggs_ref, w1n_ref, b1_ref, g1_ref,
               be1_ref, hb1_ref):
    agg = aggs_ref[0] + aggs_ref[1]
    h1 = jnp.tanh(
        xw_ref[...]
        + jax.lax.dot(agg, w1n_ref[...], precision=HIGH,
                      preferred_element_type=jnp.float32)
        + b1_ref[...])
    m = jnp.mean(h1, axis=0, keepdims=True)
    v = jnp.mean((h1 - m) ** 2, axis=0, keepdims=True)
    hb1_ref[...] = g1_ref[...] * (h1 - m) * jax.lax.rsqrt(v + 1e-3) + be1_ref[...]


_conv_call = pl.pallas_call(
    _conv_body, out_shape=jax.ShapeDtypeStruct((N, D), jnp.float32))


def _readout_body(memrow_ref, memb64_ref, mems_ref, wd2e_ref, wd2o_ref,
                  bd2e_ref, bd2o_ref, hb1_ref, p0_ref, p1_ref, gmax_ref,
                  bmax_ref, bmax2_ref):
    f32 = jnp.float32
    NB = N // 8
    N2 = N // 64
    TL2 = N - N2 * 64

    hb1 = hb1_ref[...]

    ids = lax.broadcasted_iota(jnp.int32, (BP, N), 0)
    oht = jnp.where(ids == memrow_ref[...], f32(1.0), f32(0.0)).astype(jnp.bfloat16)
    h_hi = hb1.astype(jnp.bfloat16)
    h_lo = (hb1 - h_hi.astype(f32)).astype(jnp.bfloat16)
    gsum = (jax.lax.dot(oht, h_hi, preferred_element_type=f32)
            + jax.lax.dot(oht, h_lo, preferred_element_type=f32))

    bmax_ref[...] = jnp.max(hb1.reshape(NB, 8, D), axis=1)
    bmax2_ref[...] = jnp.max(bmax_ref[: N2 * 8].reshape(N2, 8, D), axis=1)
    neg_inf = f32(-jnp.inf)
    lo2 = memb64_ref[:, 0:1]
    hi2 = memb64_ref[:, 63:64]

    def p1_body(b, _):
        maskp = jnp.logical_and(lo2 == b, hi2 == b)
        seg = jnp.where(maskp, bmax2_ref[...], neg_inf)
        gmax_ref[pl.ds(b, 1), :] = jnp.max(seg, axis=0, keepdims=True)
        return 0
    lax.fori_loop(0, B, p1_body, 0)

    def _row_fix(r):
        m = mems_ref[r]
        cur = gmax_ref[pl.ds(m, 1), :]
        gmax_ref[pl.ds(m, 1), :] = jnp.maximum(cur, hb1_ref[pl.ds(r, 1), :])

    for t in range(TL2):
        _row_fix(N2 * 64 + t)

    def p2_body(b, _):
        def bs_cond(st):
            return st[0] < st[1]
        def bs_body(st):
            blo, bhi = st
            mid = (blo + bhi) // 2
            pred = mems_ref[mid] >= b
            return (jnp.where(pred, blo, mid + 1), jnp.where(pred, mid, bhi))
        r0, _ = lax.while_loop(bs_cond, bs_body, (0, N))
        q = r0 // 64
        @pl.when(jnp.logical_and(r0 > 0, r0 < N2 * 64))
        def _():
            for k in range(8):
                base_r = q * 64 + k * 8
                mlo = mems_ref[base_r]
                mhi = mems_ref[base_r + 7]
                @pl.when(mlo == mhi)
                def _():
                    cur = gmax_ref[pl.ds(mlo, 1), :]
                    gmax_ref[pl.ds(mlo, 1), :] = jnp.maximum(
                        cur, bmax_ref[pl.ds(q * 8 + k, 1), :])
                @pl.when(mlo != mhi)
                def _():
                    for t in range(8):
                        _row_fix(base_r + t)
        return 0
    lax.fori_loop(1, B, p2_body, 0)
    gmax = gmax_ref[...]

    ro = jnp.tanh(jnp.concatenate([gsum, gmax], axis=1))
    le = jax.lax.dot(ro, wd2e_ref[...], precision=HIGH,
                     preferred_element_type=f32) + bd2e_ref[...]
    lo = jax.lax.dot(ro, wd2o_ref[...], precision=HIGH,
                     preferred_element_type=f32) + bd2o_ref[...]
    mx = jnp.maximum(le, lo)
    ee = jnp.exp(le - mx)
    eo = jnp.exp(lo - mx)
    inv = 1.0 / (ee + eo)
    p0_ref[...] = ee * inv
    p1_ref[...] = eo * inv


_readout_call = pl.pallas_call(
    _readout_body,
    in_specs=[
        pl.BlockSpec(memory_space=pltpu.VMEM),
        pl.BlockSpec(memory_space=pltpu.VMEM),
        pl.BlockSpec(memory_space=pltpu.SMEM),
        pl.BlockSpec(memory_space=pltpu.VMEM),
        pl.BlockSpec(memory_space=pltpu.VMEM),
        pl.BlockSpec(memory_space=pltpu.VMEM),
        pl.BlockSpec(memory_space=pltpu.VMEM),
        pl.BlockSpec(memory_space=pltpu.VMEM),
    ],
    out_shape=[
        jax.ShapeDtypeStruct((BP, NT), jnp.float32),
        jax.ShapeDtypeStruct((BP, NT), jnp.float32),
    ],
    scratch_shapes=[
        pltpu.VMEM((BP, D), jnp.float32),
        pltpu.VMEM((N // 8, D), jnp.float32),
        pltpu.VMEM((N // 64, D), jnp.float32),
    ],
)


def kernel(x, W1s, W1n, b1, g1, be1, W2s, W2n, b2, g2, be2, Wd1, bd1, g3,
           be3, Wd2, bd2, edge_index, membership):
    zeros = jnp.zeros((N, D), jnp.float32)
    aggs = _edge_agg_call()(zeros, edge_index[0], edge_index[1], x)

    xw = _xw_call(x, W1s)
    hb1 = _conv_call(xw, aggs, W1n, b1.reshape(1, D),
                     g1.reshape(1, D), be1.reshape(1, D))
    memrow = membership.reshape(1, N)
    memb64 = membership[: (N // 64) * 64].reshape(N // 64, 64)
    p0, p1 = _readout_call(
        memrow, memb64, membership, Wd2[:, 0::2], Wd2[:, 1::2],
        bd2[0::2].reshape(1, NT), bd2[1::2].reshape(1, NT), hb1)
    return jnp.stack([p0[:B], p1[:B]], axis=-1)

# --- scband reference (transcript-rebuilt; emitter-appended) ---
"""Pipeline reference for scband-keras-model-65180423684365 (READ-ONLY COPY).

The authoritative reference and input builder live on the scoring server;
editing this copy changes nothing except your own understanding.
"""

import jax, jax.numpy as jnp
import numpy as np

N = 10000
E = 320000
D = 128
B = 50
NT = 12


def setup_inputs(seed: int = 0) -> dict:
    key = jax.random.key(seed)
    ks = jax.random.split(key, 24)
    x = jax.random.normal(ks[0], (N, D), dtype=jnp.float32)
    edge_index = jax.random.randint(ks[1], (2, E), 0, N, dtype=jnp.int32)
    membership = jnp.sort(jax.random.randint(ks[2], (N,), 0, B, dtype=jnp.int32))
    s = 0.1
    inp = {
        'x': x,
        'W1s': s * jax.random.normal(ks[3], (D, D), dtype=jnp.float32),
        'W1n': s * jax.random.normal(ks[4], (D, D), dtype=jnp.float32),
        'b1': jnp.zeros((D,), dtype=jnp.float32),
        'g1': jnp.ones((D,), dtype=jnp.float32),
        'be1': jnp.zeros((D,), dtype=jnp.float32),
        'W2s': s * jax.random.normal(ks[5], (D, D), dtype=jnp.float32),
        'W2n': s * jax.random.normal(ks[6], (D, D), dtype=jnp.float32),
        'b2': jnp.zeros((D,), dtype=jnp.float32),
        'g2': jnp.ones((D,), dtype=jnp.float32),
        'be2': jnp.zeros((D,), dtype=jnp.float32),
        'Wd1': s * jax.random.normal(ks[7], (D, 256), dtype=jnp.float32),
        'bd1': jnp.zeros((256,), dtype=jnp.float32),
        'g3': jnp.ones((256,), dtype=jnp.float32),
        'be3': jnp.zeros((256,), dtype=jnp.float32),
        'Wd2': s * jax.random.normal(ks[8], (2 * D, NT * 2), dtype=jnp.float32),
        'bd2': jnp.zeros((NT * 2,), dtype=jnp.float32),
        'edge_index': edge_index,
        'membership': membership,
    }
    return inp


def _bn(h, gamma, beta, eps=1e-3):
    m = jnp.mean(h, axis=0)
    v = jnp.var(h, axis=0)
    return gamma * (h - m) / jnp.sqrt(v + eps) + beta


def _gconv(h, Ws, Wn, b, src, dst):
    agg = jax.ops.segment_sum(h[src], dst, num_segments=N)
    return jnp.tanh(h @ Ws + agg @ Wn + b)


def _gpool(h, src, dst):
    m = jax.ops.segment_max(h[src], dst, num_segments=N)
    return jnp.maximum(h, m)


def reference(x, W1s, W1n, b1, g1, be1, W2s, W2n, b2, g2, be2, Wd1, bd1, g3, be3, Wd2, bd2, edge_index, membership):
    src = edge_index[0]
    dst = edge_index[1]
    # GraphConv 1 + BN + GraphPool
    h1 = _gconv(x, W1s, W1n, b1, src, dst)
    hb1 = _bn(h1, g1, be1)
    hp1 = _gpool(hb1, src, dst)
    # GraphConv 2 + BN + GraphPool
    h2 = _gconv(hp1, W2s, W2n, b2, src, dst)
    hb2 = _bn(h2, g2, be2)
    hp2 = _gpool(hb2, src, dst)
    # dense1 + BN (computed as in the original model; not consumed by the output)
    d1 = jnp.tanh(hp2 @ Wd1 + bd1)
    _ = _bn(d1, g3, be3)
    # GraphGather readout on batch_norm1 output: per-graph sum || max, tanh
    gsum = jax.ops.segment_sum(hb1, membership, num_segments=B)
    gmax = jax.ops.segment_max(hb1, membership, num_segments=B)
    ro = jnp.tanh(jnp.concatenate([gsum, gmax], axis=1))
    logits = (ro @ Wd2 + bd2).reshape(B, NT, 2)
    return jax.nn.softmax(logits, axis=-1)

if __name__ == "__main__":
    import jax
    _d = setup_inputs()
    print(jax.jit(kernel)(*tuple(_d.values())))

</pallas_src>

<mosaic_0001>
#map = affine_map<(d0, d1) -> (0, 0)>
#map1 = affine_map<(d0, d1) -> (0)>
#map2 = affine_map<(d0, d1) -> (0, 0, 0)>
module attributes {stable_mosaic.version = 14 : i64} {
  func.func @_edge_agg_body(%arg0: i32, %arg1: i32, %arg2: memref<10000x128xf32, #tpu.memory_space<hbm>>, %arg3: memref<320000xi32, #tpu.memory_space<hbm>>, %arg4: memref<320000xi32, #tpu.memory_space<hbm>>, %arg5: memref<10000x128xf32, #tpu.memory_space<hbm>>, %arg6: memref<2x10000x128xf32, #tpu.memory_space<hbm>>, %arg7: memref<10000x128xf32, #tpu.memory_space<vmem_shared>>, %arg8: memref<2000xi32, #tpu.memory_space<vmem>>, %arg9: memref<2000xi32, #tpu.memory_space<vmem>>, %arg10: memref<40x128xf32, #tpu.memory_space<vmem>>, %arg11: memref<40x128xf32, #tpu.memory_space<vmem>>, %arg12: memref<40x128xf32, #tpu.memory_space<vmem>>, %arg13: memref<40x128xf32, #tpu.memory_space<vmem>>, %arg14: memref<40x128xf32, #tpu.memory_space<vmem>>, %arg15: memref<!tpu.dma_semaphore, #tpu.memory_space<semaphore_mem>>, %arg16: memref<!tpu.dma_semaphore, #tpu.memory_space<semaphore_mem>>, %arg17: memref<!tpu.dma_semaphore, #tpu.memory_space<semaphore_mem>>, %arg18: memref<!tpu.dma_semaphore, #tpu.memory_space<semaphore_mem>>, %arg19: memref<!tpu.dma_semaphore, #tpu.memory_space<semaphore_mem>>, %arg20: memref<!tpu.dma_semaphore, #tpu.memory_space<semaphore_mem>>, %arg21: memref<!tpu.dma_semaphore, #tpu.memory_space<semaphore_mem>>, %arg22: memref<!tpu.dma_semaphore, #tpu.memory_space<semaphore_mem>>, %arg23: memref<!tpu.dma_semaphore, #tpu.memory_space<semaphore_mem>>, %arg24: memref<!tpu.dma_semaphore, #tpu.memory_space<semaphore_mem>>) attributes {dimension_semantics = [#tpu.dimension_semantics<core_parallel>, #tpu.dimension_semantics<subcore_parallel>], iteration_bounds = array<i64: 2, 16>, scalar_prefetch = 0 : i64, scratch_operands = 18 : i64, tpu.core_type = #tpu.core_type<sc_vector_subcore>, window_params = [{transform_indices = #map}, {transform_indices = #map1}, {transform_indices = #map1}, {transform_indices = #map}, {transform_indices = #map2}]} {
    %mul3A = arith.constant 2 : i32
    %mul3A_0 = arith.muli %arg1, %mul3A : i32
    %add3A = arith.addi %mul3A_0, %arg0 : i32
    %mul3A_1 = arith.constant 624 : i32
    %mul3A_2 = arith.muli %arg1, %mul3A_1 : i32
    "tpu.region"() ({
      %run_scoped3A = tpu.sem_alloc : memref<!tpu.dma_semaphore, #tpu.memory_space<semaphore_mem>>
      %dma_start3A = arith.constant 0 : i32
      %dma_start3A_17 = tpu.memref_slice %arg7[%mul3A_2, %dma_start3A] : memref<10000x128xf32, #tpu.memory_space<vmem_shared>> -> memref<624x128xf32, #tpu.memory_space<vmem_shared>>
      %dma_start3A_18 = arith.constant 0 : i32
      %dma_start3A_19 = tpu.memref_slice %arg2[%mul3A_2, %dma_start3A_18] : memref<10000x128xf32, #tpu.memory_space<hbm>> -> memref<624x128xf32, #tpu.memory_space<hbm>>
      tpu.enqueue_dma source(%dma_start3A_19 : memref<624x128xf32, #tpu.memory_space<hbm>>) target(%dma_start3A_17 : memref<624x128xf32, #tpu.memory_space<vmem_shared>>) target_semaphore(%run_scoped3A : memref<!tpu.dma_semaphore, #tpu.memory_space<semaphore_mem>>)
      %dma_wait3A = arith.constant 0 : i32
      %dma_wait3A_20 = tpu.memref_slice %arg7[%mul3A_2, %dma_wait3A] : memref<10000x128xf32, #tpu.memory_space<vmem_shared>> -> memref<624x128xf32, #tpu.memory_space<vmem_shared>>
      %dma_wait3A_21 = arith.constant 0 : i32
      %dma_wait3A_22 = tpu.memref_slice %arg2[%mul3A_2, %dma_wait3A_21] : memref<10000x128xf32, #tpu.memory_space<hbm>> -> memref<624x128xf32, #tpu.memory_space<hbm>>
      tpu.wait_dma2 semaphore(%run_scoped3A : memref<!tpu.dma_semaphore, #tpu.memory_space<semaphore_mem>>) src(%dma_wait3A_22 : memref<624x128xf32, #tpu.memory_space<hbm>>) dst(%dma_wait3A_20 : memref<624x128xf32, #tpu.memory_space<vmem_shared>>)
      tpu.yield
    }) : () -> ()
    %eq3A = arith.constant 15 : i32
    %eq3A_3 = arith.cmpi eq, %arg1, %eq3A : i32
    %convert_element_type3A = arith.extui %eq3A_3 : i1 to i32
    %cond3A = arith.constant 0 : i32
    %cond3A_4 = arith.cmpi ne, %convert_element_type3A, %cond3A : i32
    scf.if %cond3A_4 {
      "tpu.region"() ({
        %run_scoped3A = tpu.sem_alloc : memref<!tpu.dma_semaphore, #tpu.memory_space<semaphore_mem>>
        %dma_start3A = arith.constant 9984 : i32
        %dma_start3A_17 = arith.constant 0 : i32
        %dma_start3A_18 = tpu.memref_slice %arg7[%dma_start3A, %dma_start3A_17] : memref<10000x128xf32, #tpu.memory_space<vmem_shared>> -> memref<16x128xf32, #tpu.memory_space<vmem_shared>>
        %dma_start3A_19 = arith.constant 9984 : i32
        %dma_start3A_20 = arith.constant 0 : i32
        %dma_start3A_21 = tpu.memref_slice %arg2[%dma_start3A_19, %dma_start3A_20] : memref<10000x128xf32, #tpu.memory_space<hbm>> -> memref<16x128xf32, #tpu.memory_space<hbm>>
        tpu.enqueue_dma source(%dma_start3A_21 : memref<16x128xf32, #tpu.memory_space<hbm>>) target(%dma_start3A_18 : memref<16x128xf32, #tpu.memory_space<vmem_shared>>) target_semaphore(%run_scoped3A : memref<!tpu.dma_semaphore, #tpu.memory_space<semaphore_mem>>)
        %dma_wait3A = arith.constant 9984 : i32
        %dma_wait3A_22 = arith.constant 0 : i32
        %dma_wait3A_23 = tpu.memref_slice %arg7[%dma_wait3A, %dma_wait3A_22] : memref<10000x128xf32, #tpu.memory_space<vmem_shared>> -> memref<16x128xf32, #tpu.memory_space<vmem_shared>>
        %dma_wait3A_24 = arith.constant 9984 : i32
        %dma_wait3A_25 = arith.constant 0 : i32
        %dma_wait3A_26 = tpu.memref_slice %arg2[%dma_wait3A_24, %dma_wait3A_25] : memref<10000x128xf32, #tpu.memory_space<hbm>> -> memref<16x128xf32, #tpu.memory_space<hbm>>
        tpu.wait_dma2 semaphore(%run_scoped3A : memref<!tpu.dma_semaphore, #tpu.memory_space<semaphore_mem>>) src(%dma_wait3A_26 : memref<16x128xf32, #tpu.memory_space<hbm>>) dst(%dma_wait3A_23 : memref<16x128xf32, #tpu.memory_space<vmem_shared>>)
        tpu.yield
      }) : () -> ()
    } else {
    }
    %barrier3A = arith.constant 0 : index
    tpu.barrier barrier_id(%barrier3A)
    %scan3A = arith.constant 0 : i32
    %scan3A_5 = arith.constant 0 : i32
    %scan3A_6 = arith.constant 5 : i32
    %scan3A_7 = arith.addi %scan3A_5, %scan3A_6 : i32
    %scan3A_8 = arith.constant 1 : i32
    %scan3A_9 = scf.for %scan3A_17 = %scan3A_5 to %scan3A_7 step %scan3A_8 iter_args(%scan3A_18 = %scan3A) -> (i32)  : i32 {
      %mul3A_19 = arith.constant 10000 : i32
      %mul3A_20 = arith.muli %add3A, %mul3A_19 : i32
      %mul3A_21 = arith.constant 2000 : i32
      %mul3A_22 = arith.muli %scan3A_17, %mul3A_21 : i32
      %add3A_23 = arith.addi %mul3A_20, %mul3A_22 : i32
      "tpu.region"() ({
        %run_scoped3A = tpu.sem_alloc : memref<!tpu.dma_semaphore, #tpu.memory_space<semaphore_mem>>
        %dma_start3A_56 = tpu.memref_slice %arg3[%add3A_23] : memref<320000xi32, #tpu.memory_space<hbm>> -> memref<2000xi32, #tpu.memory_space<hbm>>
        %dma_start3A_57 = tpu.memref_slice %arg3[%add3A_23] : memref<320000xi32, #tpu.memory_space<hbm>> -> memref<2000xi32, #tpu.memory_space<hbm>>
        tpu.enqueue_dma source(%dma_start3A_57 : memref<2000xi32, #tpu.memory_space<hbm>>) target(%arg8 : memref<2000xi32, #tpu.memory_space<vmem>>) target_semaphore(%run_scoped3A : memref<!tpu.dma_semaphore, #tpu.memory_space<semaphore_mem>>)
        %dma_wait3A = tpu.memref_slice %arg3[%add3A_23] : memref<320000xi32, #tpu.memory_space<hbm>> -> memref<2000xi32, #tpu.memory_space<hbm>>
        %dma_wait3A_58 = tpu.memref_slice %arg3[%add3A_23] : memref<320000xi32, #tpu.memory_space<hbm>> -> memref<2000xi32, #tpu.memory_space<hbm>>
        tpu.wait_dma2 semaphore(%run_scoped3A : memref<!tpu.dma_semaphore, #tpu.memory_space<semaphore_mem>>) src(%dma_wait3A_58 : memref<2000xi32, #tpu.memory_space<hbm>>) dst(%arg8 : memref<2000xi32, #tpu.memory_space<vmem>>)
        tpu.yield
      }) : () -> ()
      "tpu.region"() ({
        %run_scoped3A = tpu.sem_alloc : memref<!tpu.dma_semaphore, #tpu.memory_space<semaphore_mem>>
        %dma_start3A_56 = tpu.memref_slice %arg4[%add3A_23] : memref<320000xi32, #tpu.memory_space<hbm>> -> memref<2000xi32, #tpu.memory_space<hbm>>
        %dma_start3A_57 = tpu.memref_slice %arg4[%add3A_23] : memref<320000xi32, #tpu.memory_space<hbm>> -> memref<2000xi32, #tpu.memory_space<hbm>>
        tpu.enqueue_dma source(%dma_start3A_57 : memref<2000xi32, #tpu.memory_space<hbm>>) target(%arg9 : memref<2000xi32, #tpu.memory_space<vmem>>) target_semaphore(%run_scoped3A : memref<!tpu.dma_semaphore, #tpu.memory_space<semaphore_mem>>)
        %dma_wait3A = tpu.memref_slice %arg4[%add3A_23] : memref<320000xi32, #tpu.memory_space<hbm>> -> memref<2000xi32, #tpu.memory_space<hbm>>
        %dma_wait3A_58 = tpu.memref_slice %arg4[%add3A_23] : memref<320000xi32, #tpu.memory_space<hbm>> -> memref<2000xi32, #tpu.memory_space<hbm>>
        tpu.wait_dma2 semaphore(%run_scoped3A : memref<!tpu.dma_semaphore, #tpu.memory_space<semaphore_mem>>) src(%dma_wait3A_58 : memref<2000xi32, #tpu.memory_space<hbm>>) dst(%arg9 : memref<2000xi32, #tpu.memory_space<vmem>>)
        tpu.yield
      }) : () -> ()
      %dma_start3A = arith.constant 0 : i32
      %dma_start3A_24 = tpu.memref_slice %arg8[%dma_start3A] : memref<2000xi32, #tpu.memory_space<vmem>> -> memref<40xi32, #tpu.memory_space<vmem>>
      %dma_start3A_25 = arith.constant 0 : i32
      %dma_start3A_26 = arith.constant 0 : i32
      %dma_start3A_27 = tpu.memref_slice %arg5[%dma_start3A_25, %dma_start3A_26] : memref<10000x128xf32, #tpu.memory_space<hbm>> -> memref<10000x128xf32, #tpu.memory_space<hbm>>
      tpu.enqueue_indirect_dma source(%dma_start3A_27 : memref<10000x128xf32, #tpu.memory_space<hbm>>) target(%arg10 : memref<40x128xf32, #tpu.memory_space<vmem>>) offsets(%dma_start3A_24 : memref<40xi32, #tpu.memory_space<vmem>>) semaphore(%arg15 : memref<!tpu.dma_semaphore, #tpu.memory_space<semaphore_mem>>)
      %dma_start3A_28 = arith.constant 40 : i32
      %dma_start3A_29 = tpu.memref_slice %arg8[%dma_start3A_28] : memref<2000xi32, #tpu.memory_space<vmem>> -> memref<40xi32, #tpu.memory_space<vmem>>
      %dma_start3A_30 = arith.constant 0 : i32
      %dma_start3A_31 = arith.constant 0 : i32
      %dma_start3A_32 = tpu.memref_slice %arg5[%dma_start3A_30, %dma_start3A_31] : memref<10000x128xf32, #tpu.memory_space<hbm>> -> memref<10000x128xf32, #tpu.memory_space<hbm>>
      tpu.enqueue_indirect_dma source(%dma_start3A_32 : memref<10000x128xf32, #tpu.memory_space<hbm>>) target(%arg11 : memref<40x128xf32, #tpu.memory_space<vmem>>) offsets(%dma_start3A_29 : memref<40xi32, #tpu.memory_space<vmem>>) semaphore(%arg16 : memref<!tpu.dma_semaphore, #tpu.memory_space<semaphore_mem>>)
      %dma_start3A_33 = arith.constant 80 : i32
      %dma_start3A_34 = tpu.memref_slice %arg8[%dma_start3A_33] : memref<2000xi32, #tpu.memory_space<vmem>> -> memref<40xi32, #tpu.memory_space<vmem>>
      %dma_start3A_35 = arith.constant 0 : i32
      %dma_start3A_36 = arith.constant 0 : i32
      %dma_start3A_37 = tpu.memref_slice %arg5[%dma_start3A_35, %dma_start3A_36] : memref<10000x128xf32, #tpu.memory_space<hbm>> -> memref<10000x128xf32, #tpu.memory_space<hbm>>
      tpu.enqueue_indirect_dma source(%dma_start3A_37 : memref<10000x128xf32, #tpu.memory_space<hbm>>) target(%arg12 : memref<40x128xf32, #tpu.memory_space<vmem>>) offsets(%dma_start3A_34 : memref<40xi32, #tpu.memory_space<vmem>>) semaphore(%arg17 : memref<!tpu.dma_semaphore, #tpu.memory_space<semaphore_mem>>)
      %dma_start3A_38 = arith.constant 120 : i32
      %dma_start3A_39 = tpu.memref_slice %arg8[%dma_start3A_38] : memref<2000xi32, #tpu.memory_space<vmem>> -> memref<40xi32, #tpu.memory_space<vmem>>
      %dma_start3A_40 = arith.constant 0 : i32
      %dma_start3A_41 = arith.constant 0 : i32
      %dma_start3A_42 = tpu.memref_slice %arg5[%dma_start3A_40, %dma_start3A_41] : memref<10000x128xf32, #tpu.memory_space<hbm>> -> memref<10000x128xf32, #tpu.memory_space<hbm>>
      tpu.enqueue_indirect_dma source(%dma_start3A_42 : memref<10000x128xf32, #tpu.memory_space<hbm>>) target(%arg13 : memref<40x128xf32, #tpu.memory_space<vmem>>) offsets(%dma_start3A_39 : memref<40xi32, #tpu.memory_space<vmem>>) semaphore(%arg18 : memref<!tpu.dma_semaphore, #tpu.memory_space<semaphore_mem>>)
      %dma_start3A_43 = arith.constant 160 : i32
      %dma_start3A_44 = tpu.memref_slice %arg8[%dma_start3A_43] : memref<2000xi32, #tpu.memory_space<vmem>> -> memref<40xi32, #tpu.memory_space<vmem>>
      %dma_start3A_45 = arith.constant 0 : i32
      %dma_start3A_46 = arith.constant 0 : i32
      %dma_start3A_47 = tpu.memref_slice %arg5[%dma_start3A_45, %dma_start3A_46] : memref<10000x128xf32, #tpu.memory_space<hbm>> -> memref<10000x128xf32, #tpu.memory_space<hbm>>
      tpu.enqueue_indirect_dma source(%dma_start3A_47 : memref<10000x128xf32, #tpu.memory_space<hbm>>) target(%arg14 : memref<40x128xf32, #tpu.memory_space<vmem>>) offsets(%dma_start3A_44 : memref<40xi32, #tpu.memory_space<vmem>>) semaphore(%arg19 : memref<!tpu.dma_semaphore, #tpu.memory_space<semaphore_mem>>)
      %scan3A_48 = arith.constant 0 : i32
      %scan3A_49 = arith.constant 0 : i32
      %scan3A_50 = arith.constant 10 : i32
      %scan3A_51 = arith.addi %scan3A_49, %scan3A_50 : i32
      %scan3A_52 = arith.constant 1 : i32
      %scan3A_53 = scf.for %scan3A_56 = %scan3A_49 to %scan3A_51 step %scan3A_52 iter_args(%scan3A_57 = %scan3A_48) -> (i32)  : i32 {
        %mul3A_58 = arith.constant 5 : i32
        %mul3A_59 = arith.muli %mul3A_58, %scan3A_56 : i32
        %add3A_60 = arith.constant 0 : i32
        %add3A_61 = arith.addi %mul3A_59, %add3A_60 : i32
        %mul3A_62 = arith.constant 40 : i32
        %mul3A_63 = arith.muli %add3A_61, %mul3A_62 : i32
        %dma_wait3A = tpu.memref_slice %arg8[%mul3A_63] : memref<2000xi32, #tpu.memory_space<vmem>> -> memref<40xi32, #tpu.memory_space<vmem>>
        %dma_wait3A_64 = arith.constant 0 : i32
        %dma_wait3A_65 = arith.constant 0 : i32
        %dma_wait3A_66 = tpu.memref_slice %arg5[%dma_wait3A_64, %dma_wait3A_65] : memref<10000x128xf32, #tpu.memory_space<hbm>> -> memref<10000x128xf32, #tpu.memory_space<hbm>>
        tpu.wait_indirect_dma semaphore(%arg15 : memref<!tpu.dma_semaphore, #tpu.memory_space<semaphore_mem>>) src(%dma_wait3A_66 : memref<10000x128xf32, #tpu.memory_space<hbm>>) dst(%arg10 : memref<40x128xf32, #tpu.memory_space<vmem>>)
        %mul3A_67 = arith.constant 40 : i32
        %mul3A_68 = arith.muli %add3A_61, %mul3A_67 : i32
        %dma_start3A_69 = tpu.memref_slice %arg9[%mul3A_68] : memref<2000xi32, #tpu.memory_space<vmem>> -> memref<40xi32, #tpu.memory_space<vmem>>
        %dma_start3A_70 = arith.constant 0 : i32
        %dma_start3A_71 = arith.constant 0 : i32
        %dma_start3A_72 = tpu.memref_slice %arg7[%dma_start3A_70, %dma_start3A_71] : memref<10000x128xf32, #tpu.memory_space<vmem_shared>> -> memref<10000x128xf32, #tpu.memory_space<vmem_shared>>
        tpu.enqueue_indirect_dma source(%arg10 : memref<40x128xf32, #tpu.memory_space<vmem>>) target(%dma_start3A_72 : memref<10000x128xf32, #tpu.memory_space<vmem_shared>>) offsets(%dma_start3A_69 : memref<40xi32, #tpu.memory_space<vmem>>) semaphore(%arg20 : memref<!tpu.dma_semaphore, #tpu.memory_space<semaphore_mem>>) {add = true}
        %mul3A_73 = arith.constant 5 : i32
        %mul3A_74 = arith.muli %mul3A_73, %scan3A_56 : i32
        %add3A_75 = arith.constant 1 : i32
        %add3A_76 = arith.addi %mul3A_74, %add3A_75 : i32
        %mul3A_77 = arith.constant 40 : i32
        %mul3A_78 = arith.muli %add3A_76, %mul3A_77 : i32
        %dma_wait3A_79 = tpu.memref_slice %arg8[%mul3A_78] : memref<2000xi32, #tpu.memory_space<vmem>> -> memref<40xi32, #tpu.memory_space<vmem>>
        %dma_wait3A_80 = arith.constant 0 : i32
        %dma_wait3A_81 = arith.constant 0 : i32
        %dma_wait3A_82 = tpu.memref_slice %arg5[%dma_wait3A_80, %dma_wait3A_81] : memref<10000x128xf32, #tpu.memory_space<hbm>> -> memref<10000x128xf32, #tpu.memory_space<hbm>>
        tpu.wait_indirect_dma semaphore(%arg16 : memref<!tpu.dma_semaphore, #tpu.memory_space<semaphore_mem>>) src(%dma_wait3A_82 : memref<10000x128xf32, #tpu.memory_space<hbm>>) dst(%arg11 : memref<40x128xf32, #tpu.memory_space<vmem>>)
        %mul3A_83 = arith.constant 40 : i32
        %mul3A_84 = arith.muli %add3A_76, %mul3A_83 : i32
        %dma_start3A_85 = tpu.memref_slice %arg9[%mul3A_84] : memref<2000xi32, #tpu.memory_space<vmem>> -> memref<40xi32, #tpu.memory_space<vmem>>
        %dma_start3A_86 = arith.constant 0 : i32
        %dma_start3A_87 = arith.constant 0 : i32
        %dma_start3A_88 = tpu.memref_slice %arg7[%dma_start3A_86, %dma_start3A_87] : memref<10000x128xf32, #tpu.memory_space<vmem_shared>> -> memref<10000x128xf32, #tpu.memory_space<vmem_shared>>
        tpu.enqueue_indirect_dma source(%arg11 : memref<40x128xf32, #tpu.memory_space<vmem>>) target(%dma_start3A_88 : memref<10000x128xf32, #tpu.memory_space<vmem_shared>>) offsets(%dma_start3A_85 : memref<40xi32, #tpu.memory_space<vmem>>) semaphore(%arg21 : memref<!tpu.dma_semaphore, #tpu.memory_space<semaphore_mem>>) {add = true}
        %mul3A_89 = arith.constant 5 : i32
        %mul3A_90 = arith.muli %mul3A_89, %scan3A_56 : i32
        %add3A_91 = arith.constant 2 : i32
        %add3A_92 = arith.addi %mul3A_90, %add3A_91 : i32
        %mul3A_93 = arith.constant 40 : i32
        %mul3A_94 = arith.muli %add3A_92, %mul3A_93 : i32
        %dma_wait3A_95 = tpu.memref_slice %arg8[%mul3A_94] : memref<2000xi32, #tpu.memory_space<vmem>> -> memref<40xi32, #tpu.memory_space<vmem>>
        %dma_wait3A_96 = arith.constant 0 : i32
        %dma_wait3A_97 = arith.constant 0 : i32
        %dma_wait3A_98 = tpu.memref_slice %arg5[%dma_wait3A_96, %dma_wait3A_97] : memref<10000x128xf32, #tpu.memory_space<hbm>> -> memref<10000x128xf32, #tpu.memory_space<hbm>>
        tpu.wait_indirect_dma semaphore(%arg17 : memref<!tpu.dma_semaphore, #tpu.memory_space<semaphore_mem>>) src(%dma_wait3A_98 : memref<10000x128xf32, #tpu.memory_space<hbm>>) dst(%arg12 : memref<40x128xf32, #tpu.memory_space<vmem>>)
        %mul3A_99 = arith.constant 40 : i32
        %mul3A_100 = arith.muli %add3A_92, %mul3A_99 : i32
        %dma_start3A_101 = tpu.memref_slice %arg9[%mul3A_100] : memref<2000xi32, #tpu.memory_space<vmem>> -> memref<40xi32, #tpu.memory_space<vmem>>
        %dma_start3A_102 = arith.constant 0 : i32
        %dma_start3A_103 = arith.constant 0 : i32
        %dma_start3A_104 = tpu.memref_slice %arg7[%dma_start3A_102, %dma_start3A_103] : memref<10000x128xf32, #tpu.memory_space<vmem_shared>> -> memref<10000x128xf32, #tpu.memory_space<vmem_shared>>
        tpu.enqueue_indirect_dma source(%arg12 : memref<40x128xf32, #tpu.memory_space<vmem>>) target(%dma_start3A_104 : memref<10000x128xf32, #tpu.memory_space<vmem_shared>>) offsets(%dma_start3A_101 : memref<40xi32, #tpu.memory_space<vmem>>) semaphore(%arg22 : memref<!tpu.dma_semaphore, #tpu.memory_space<semaphore_mem>>) {add = true}
        %mul3A_105 = arith.constant 5 : i32
        %mul3A_106 = arith.muli %mul3A_105, %scan3A_56 : i32
        %add3A_107 = arith.constant 3 : i32
        %add3A_108 = arith.addi %mul3A_106, %add3A_107 : i32
        %mul3A_109 = arith.constant 40 : i32
        %mul3A_110 = arith.muli %add3A_108, %mul3A_109 : i32
        %dma_wait3A_111 = tpu.memref_slice %arg8[%mul3A_110] : memref<2000xi32, #tpu.memory_space<vmem>> -> memref<40xi32, #tpu.memory_space<vmem>>
        %dma_wait3A_112 = arith.constant 0 : i32
        %dma_wait3A_113 = arith.constant 0 : i32
        %dma_wait3A_114 = tpu.memref_slice %arg5[%dma_wait3A_112, %dma_wait3A_113] : memref<10000x128xf32, #tpu.memory_space<hbm>> -> memref<10000x128xf32, #tpu.memory_space<hbm>>
        tpu.wait_indirect_dma semaphore(%arg18 : memref<!tpu.dma_semaphore, #tpu.memory_space<semaphore_mem>>) src(%dma_wait3A_114 : memref<10000x128xf32, #tpu.memory_space<hbm>>) dst(%arg13 : memref<40x128xf32, #tpu.memory_space<vmem>>)
        %mul3A_115 = arith.constant 40 : i32
        %mul3A_116 = arith.muli %add3A_108, %mul3A_115 : i32
        %dma_start3A_117 = tpu.memref_slice %arg9[%mul3A_116] : memref<2000xi32, #tpu.memory_space<vmem>> -> memref<40xi32, #tpu.memory_space<vmem>>
        %dma_start3A_118 = arith.constant 0 : i32
        %dma_start3A_119 = arith.constant 0 : i32
        %dma_start3A_120 = tpu.memref_slice %arg7[%dma_start3A_118, %dma_start3A_119] : memref<10000x128xf32, #tpu.memory_space<vmem_shared>> -> memref<10000x128xf32, #tpu.memory_space<vmem_shared>>
        tpu.enqueue_indirect_dma source(%arg13 : memref<40x128xf32, #tpu.memory_space<vmem>>) target(%dma_start3A_120 : memref<10000x128xf32, #tpu.memory_space<vmem_shared>>) offsets(%dma_start3A_117 : memref<40xi32, #tpu.memory_space<vmem>>) semaphore(%arg23 : memref<!tpu.dma_semaphore, #tpu.memory_space<semaphore_mem>>) {add = true}
        %mul3A_121 = arith.constant 5 : i32
        %mul3A_122 = arith.muli %mul3A_121, %scan3A_56 : i32
        %add3A_123 = arith.constant 4 : i32
        %add3A_124 = arith.addi %mul3A_122, %add3A_123 : i32
        %mul3A_125 = arith.constant 40 : i32
        %mul3A_126 = arith.muli %add3A_124, %mul3A_125 : i32
        %dma_wait3A_127 = tpu.memref_slice %arg8[%mul3A_126] : memref<2000xi32, #tpu.memory_space<vmem>> -> memref<40xi32, #tpu.memory_space<vmem>>
        %dma_wait3A_128 = arith.constant 0 : i32
        %dma_wait3A_129 = arith.constant 0 : i32
        %dma_wait3A_130 = tpu.memref_slice %arg5[%dma_wait3A_128, %dma_wait3A_129] : memref<10000x128xf32, #tpu.memory_space<hbm>> -> memref<10000x128xf32, #tpu.memory_space<hbm>>
        tpu.wait_indirect_dma semaphore(%arg19 : memref<!tpu.dma_semaphore, #tpu.memory_space<semaphore_mem>>) src(%dma_wait3A_130 : memref<10000x128xf32, #tpu.memory_space<hbm>>) dst(%arg14 : memref<40x128xf32, #tpu.memory_space<vmem>>)
        %mul3A_131 = arith.constant 40 : i32
        %mul3A_132 = arith.muli %add3A_124, %mul3A_131 : i32
        %dma_start3A_133 = tpu.memref_slice %arg9[%mul3A_132] : memref<2000xi32, #tpu.memory_space<vmem>> -> memref<40xi32, #tpu.memory_space<vmem>>
        %dma_start3A_134 = arith.constant 0 : i32
        %dma_start3A_135 = arith.constant 0 : i32
        %dma_start3A_136 = tpu.memref_slice %arg7[%dma_start3A_134, %dma_start3A_135] : memref<10000x128xf32, #tpu.memory_space<vmem_shared>> -> memref<10000x128xf32, #tpu.memory_space<vmem_shared>>
        tpu.enqueue_indirect_dma source(%arg14 : memref<40x128xf32, #tpu.memory_space<vmem>>) target(%dma_start3A_136 : memref<10000x128xf32, #tpu.memory_space<vmem_shared>>) offsets(%dma_start3A_133 : memref<40xi32, #tpu.memory_space<vmem>>) semaphore(%arg24 : memref<!tpu.dma_semaphore, #tpu.memory_space<semaphore_mem>>) {add = true}
        %dma_wait3A_137 = tpu.memref_slice %arg9[%mul3A_68] : memref<2000xi32, #tpu.memory_space<vmem>> -> memref<40xi32, #tpu.memory_space<vmem>>
        %dma_wait3A_138 = arith.constant 0 : i32
        %dma_wait3A_139 = arith.constant 0 : i32
        %dma_wait3A_140 = tpu.memref_slice %arg7[%dma_wait3A_138, %dma_wait3A_139] : memref<10000x128xf32, #tpu.memory_space<vmem_shared>> -> memref<10000x128xf32, #tpu.memory_space<vmem_shared>>
        tpu.wait_indirect_dma semaphore(%arg20 : memref<!tpu.dma_semaphore, #tpu.memory_space<semaphore_mem>>) src(%arg10 : memref<40x128xf32, #tpu.memory_space<vmem>>) dst(%dma_wait3A_140 : memref<10000x128xf32, #tpu.memory_space<vmem_shared>>)
        %lt3A = arith.constant 9 : i32
        %lt3A_141 = arith.cmpi slt, %scan3A_56, %lt3A : i32
        %convert_element_type3A_142 = arith.extui %lt3A_141 : i1 to i32
        %cond3A_143 = arith.constant 0 : i32
        %cond3A_144 = arith.cmpi ne, %convert_element_type3A_142, %cond3A_143 : i32
        scf.if %cond3A_144 {
          %mul3A_182 = arith.constant 5 : i32
          %mul3A_183 = arith.muli %mul3A_182, %scan3A_56 : i32
          %add3A_184 = arith.constant 0 : i32
          %add3A_185 = arith.addi %mul3A_183, %add3A_184 : i32
          %add3A_186 = arith.constant 5 : i32
          %add3A_187 = arith.addi %add3A_185, %add3A_186 : i32
          %mul3A_188 = arith.constant 40 : i32
          %mul3A_189 = arith.muli %add3A_187, %mul3A_188 : i32
          %dma_start3A_190 = tpu.memref_slice %arg8[%mul3A_189] : memref<2000xi32, #tpu.memory_space<vmem>> -> memref<40xi32, #tpu.memory_space<vmem>>
          %dma_start3A_191 = arith.constant 0 : i32
          %dma_start3A_192 = arith.constant 0 : i32
          %dma_start3A_193 = tpu.memref_slice %arg5[%dma_start3A_191, %dma_start3A_192] : memref<10000x128xf32, #tpu.memory_space<hbm>> -> memref<10000x128xf32, #tpu.memory_space<hbm>>
          tpu.enqueue_indirect_dma source(%dma_start3A_193 : memref<10000x128xf32, #tpu.memory_space<hbm>>) target(%arg10 : memref<40x128xf32, #tpu.memory_space<vmem>>) offsets(%dma_start3A_190 : memref<40xi32, #tpu.memory_space<vmem>>) semaphore(%arg15 : memref<!tpu.dma_semaphore, #tpu.memory_space<semaphore_mem>>)
        } else {
        }
        %dma_wait3A_145 = tpu.memref_slice %arg9[%mul3A_84] : memref<2000xi32, #tpu.memory_space<vmem>> -> memref<40xi32, #tpu.memory_space<vmem>>
        %dma_wait3A_146 = arith.constant 0 : i32
        %dma_wait3A_147 = arith.constant 0 : i32
        %dma_wait3A_148 = tpu.memref_slice %arg7[%dma_wait3A_146, %dma_wait3A_147] : memref<10000x128xf32, #tpu.memory_space<vmem_shared>> -> memref<10000x128xf32, #tpu.memory_space<vmem_shared>>
        tpu.wait_indirect_dma semaphore(%arg21 : memref<!tpu.dma_semaphore, #tpu.memory_space<semaphore_mem>>) src(%arg11 : memref<40x128xf32, #tpu.memory_space<vmem>>) dst(%dma_wait3A_148 : memref<10000x128xf32, #tpu.memory_space<vmem_shared>>)
        %lt3A_149 = arith.constant 9 : i32
        %lt3A_150 = arith.cmpi slt, %scan3A_56, %lt3A_149 : i32
        %convert_element_type3A_151 = arith.extui %lt3A_150 : i1 to i32
        %cond3A_152 = arith.constant 0 : i32
        %cond3A_153 = arith.cmpi ne, %convert_element_type3A_151, %cond3A_152 : i32
        scf.if %cond3A_153 {
          %mul3A_182 = arith.constant 5 : i32
          %mul3A_183 = arith.muli %mul3A_182, %scan3A_56 : i32
          %add3A_184 = arith.constant 1 : i32
          %add3A_185 = arith.addi %mul3A_183, %add3A_184 : i32
          %add3A_186 = arith.constant 5 : i32
          %add3A_187 = arith.addi %add3A_185, %add3A_186 : i32
          %mul3A_188 = arith.constant 40 : i32
          %mul3A_189 = arith.muli %add3A_187, %mul3A_188 : i32
          %dma_start3A_190 = tpu.memref_slice %arg8[%mul3A_189] : memref<2000xi32, #tpu.memory_space<vmem>> -> memref<40xi32, #tpu.memory_space<vmem>>
          %dma_start3A_191 = arith.constant 0 : i32
          %dma_start3A_192 = arith.constant 0 : i32
          %dma_start3A_193 = tpu.memref_slice %arg5[%dma_start3A_191, %dma_start3A_192] : memref<10000x128xf32, #tpu.memory_space<hbm>> -> memref<10000x128xf32, #tpu.memory_space<hbm>>
          tpu.enqueue_indirect_dma source(%dma_start3A_193 : memref<10000x128xf32, #tpu.memory_space<hbm>>) target(%arg11 : memref<40x128xf32, #tpu.memory_space<vmem>>) offsets(%dma_start3A_190 : memref<40xi32, #tpu.memory_space<vmem>>) semaphore(%arg16 : memref<!tpu.dma_semaphore, #tpu.memory_space<semaphore_mem>>)
        } else {
        }
        %dma_wait3A_154 = tpu.memref_slice %arg9[%mul3A_100] : memref<2000xi32, #tpu.memory_space<vmem>> -> memref<40xi32, #tpu.memory_space<vmem>>
        %dma_wait3A_155 = arith.constant 0 : i32
        %dma_wait3A_156 = arith.constant 0 : i32
        %dma_wait3A_157 = tpu.memref_slice %arg7[%dma_wait3A_155, %dma_wait3A_156] : memref<10000x128xf32, #tpu.memory_space<vmem_shared>> -> memref<10000x128xf32, #tpu.memory_space<vmem_shared>>
        tpu.wait_indirect_dma semaphore(%arg22 : memref<!tpu.dma_semaphore, #tpu.memory_space<semaphore_mem>>) src(%arg12 : memref<40x128xf32, #tpu.memory_space<vmem>>) dst(%dma_wait3A_157 : memref<10000x128xf32, #tpu.memory_space<vmem_shared>>)
        %lt3A_158 = arith.constant 9 : i32
        %lt3A_159 = arith.cmpi slt, %scan3A_56, %lt3A_158 : i32
        %convert_element_type3A_160 = arith.extui %lt3A_159 : i1 to i32
        %cond3A_161 = arith.constant 0 : i32
        %cond3A_162 = arith.cmpi ne, %convert_element_type3A_160, %cond3A_161 : i32
        scf.if %cond3A_162 {
          %mul3A_182 = arith.constant 5 : i32
          %mul3A_183 = arith.muli %mul3A_182, %scan3A_56 : i32
          %add3A_184 = arith.constant 2 : i32
          %add3A_185 = arith.addi %mul3A_183, %add3A_184 : i32
          %add3A_186 = arith.constant 5 : i32
          %add3A_187 = arith.addi %add3A_185, %add3A_186 : i32
          %mul3A_188 = arith.constant 40 : i32
          %mul3A_189 = arith.muli %add3A_187, %mul3A_188 : i32
          %dma_start3A_190 = tpu.memref_slice %arg8[%mul3A_189] : memref<2000xi32, #tpu.memory_space<vmem>> -> memref<40xi32, #tpu.memory_space<vmem>>
          %dma_start3A_191 = arith.constant 0 : i32
          %dma_start3A_192 = arith.constant 0 : i32
          %dma_start3A_193 = tpu.memref_slice %arg5[%dma_start3A_191, %dma_start3A_192] : memref<10000x128xf32, #tpu.memory_space<hbm>> -> memref<10000x128xf32, #tpu.memory_space<hbm>>
          tpu.enqueue_indirect_dma source(%dma_start3A_193 : memref<10000x128xf32, #tpu.memory_space<hbm>>) target(%arg12 : memref<40x128xf32, #tpu.memory_space<vmem>>) offsets(%dma_start3A_190 : memref<40xi32, #tpu.memory_space<vmem>>) semaphore(%arg17 : memref<!tpu.dma_semaphore, #tpu.memory_space<semaphore_mem>>)
        } else {
        }
        %dma_wait3A_163 = tpu.memref_slice %arg9[%mul3A_116] : memref<2000xi32, #tpu.memory_space<vmem>> -> memref<40xi32, #tpu.memory_space<vmem>>
        %dma_wait3A_164 = arith.constant 0 : i32
        %dma_wait3A_165 = arith.constant 0 : i32
        %dma_wait3A_166 = tpu.memref_slice %arg7[%dma_wait3A_164, %dma_wait3A_165] : memref<10000x128xf32, #tpu.memory_space<vmem_shared>> -> memref<10000x128xf32, #tpu.memory_space<vmem_shared>>
        tpu.wait_indirect_dma semaphore(%arg23 : memref<!tpu.dma_semaphore, #tpu.memory_space<semaphore_mem>>) src(%arg13 : memref<40x128xf32, #tpu.memory_space<vmem>>) dst(%dma_wait3A_166 : memref<10000x128xf32, #tpu.memory_space<vmem_shared>>)
        %lt3A_167 = arith.constant 9 : i32
        %lt3A_168 = arith.cmpi slt, %scan3A_56, %lt3A_167 : i32
        %convert_element_type3A_169 = arith.extui %lt3A_168 : i1 to i32
        %cond3A_170 = arith.constant 0 : i32
        %cond3A_171 = arith.cmpi ne, %convert_element_type3A_169, %cond3A_170 : i32
        scf.if %cond3A_171 {
          %mul3A_182 = arith.constant 5 : i32
          %mul3A_183 = arith.muli %mul3A_182, %scan3A_56 : i32
          %add3A_184 = arith.constant 3 : i32
          %add3A_185 = arith.addi %mul3A_183, %add3A_184 : i32
          %add3A_186 = arith.constant 5 : i32
          %add3A_187 = arith.addi %add3A_185, %add3A_186 : i32
          %mul3A_188 = arith.constant 40 : i32
          %mul3A_189 = arith.muli %add3A_187, %mul3A_188 : i32
          %dma_start3A_190 = tpu.memref_slice %arg8[%mul3A_189] : memref<2000xi32, #tpu.memory_space<vmem>> -> memref<40xi32, #tpu.memory_space<vmem>>
          %dma_start3A_191 = arith.constant 0 : i32
          %dma_start3A_192 = arith.constant 0 : i32
          %dma_start3A_193 = tpu.memref_slice %arg5[%dma_start3A_191, %dma_start3A_192] : memref<10000x128xf32, #tpu.memory_space<hbm>> -> memref<10000x128xf32, #tpu.memory_space<hbm>>
          tpu.enqueue_indirect_dma source(%dma_start3A_193 : memref<10000x128xf32, #tpu.memory_space<hbm>>) target(%arg13 : memref<40x128xf32, #tpu.memory_space<vmem>>) offsets(%dma_start3A_190 : memref<40xi32, #tpu.memory_space<vmem>>) semaphore(%arg18 : memref<!tpu.dma_semaphore, #tpu.memory_space<semaphore_mem>>)
        } else {
        }
        %dma_wait3A_172 = tpu.memref_slice %arg9[%mul3A_132] : memref<2000xi32, #tpu.memory_space<vmem>> -> memref<40xi32, #tpu.memory_space<vmem>>
        %dma_wait3A_173 = arith.constant 0 : i32
        %dma_wait3A_174 = arith.constant 0 : i32
        %dma_wait3A_175 = tpu.memref_slice %arg7[%dma_wait3A_173, %dma_wait3A_174] : memref<10000x128xf32, #tpu.memory_space<vmem_shared>> -> memref<10000x128xf32, #tpu.memory_space<vmem_shared>>
        tpu.wait_indirect_dma semaphore(%arg24 : memref<!tpu.dma_semaphore, #tpu.memory_space<semaphore_mem>>) src(%arg14 : memref<40x128xf32, #tpu.memory_space<vmem>>) dst(%dma_wait3A_175 : memref<10000x128xf32, #tpu.memory_space<vmem_shared>>)
        %lt3A_176 = arith.constant 9 : i32
        %lt3A_177 = arith.cmpi slt, %scan3A_56, %lt3A_176 : i32
        %convert_element_type3A_178 = arith.extui %lt3A_177 : i1 to i32
        %cond3A_179 = arith.constant 0 : i32
        %cond3A_180 = arith.cmpi ne, %convert_element_type3A_178, %cond3A_179 : i32
        scf.if %cond3A_180 {
          %mul3A_182 = arith.constant 5 : i32
          %mul3A_183 = arith.muli %mul3A_182, %scan3A_56 : i32
          %add3A_184 = arith.constant 4 : i32
          %add3A_185 = arith.addi %mul3A_183, %add3A_184 : i32
          %add3A_186 = arith.constant 5 : i32
          %add3A_187 = arith.addi %add3A_185, %add3A_186 : i32
          %mul3A_188 = arith.constant 40 : i32
          %mul3A_189 = arith.muli %add3A_187, %mul3A_188 : i32
          %dma_start3A_190 = tpu.memref_slice %arg8[%mul3A_189] : memref<2000xi32, #tpu.memory_space<vmem>> -> memref<40xi32, #tpu.memory_space<vmem>>
          %dma_start3A_191 = arith.constant 0 : i32
          %dma_start3A_192 = arith.constant 0 : i32
          %dma_start3A_193 = tpu.memref_slice %arg5[%dma_start3A_191, %dma_start3A_192] : memref<10000x128xf32, #tpu.memory_space<hbm>> -> memref<10000x128xf32, #tpu.memory_space<hbm>>
          tpu.enqueue_indirect_dma source(%dma_start3A_193 : memref<10000x128xf32, #tpu.memory_space<hbm>>) target(%arg14 : memref<40x128xf32, #tpu.memory_space<vmem>>) offsets(%dma_start3A_190 : memref<40xi32, #tpu.memory_space<vmem>>) semaphore(%arg19 : memref<!tpu.dma_semaphore, #tpu.memory_space<semaphore_mem>>)
        } else {
        }
        %scan3A_181 = arith.constant 0 : i32
        scf.yield %scan3A_181 : i32
      }
      %scan3A_54 = arith.constant 10 : i32
      %scan3A_55 = arith.constant 0 : i32
      scf.yield %scan3A_55 : i32
    }
    %scan3A_10 = arith.constant 5 : i32
    %barrier3A_11 = arith.constant 0 : index
    tpu.barrier barrier_id(%barrier3A_11)
    "tpu.region"() ({
      %run_scoped3A = tpu.sem_alloc : memref<!tpu.dma_semaphore, #tpu.memory_space<semaphore_mem>>
      %dma_start3A = arith.constant 0 : i32
      %dma_start3A_17 = tpu.memref_slice %arg6[%arg0, %mul3A_2, %dma_start3A] : memref<2x10000x128xf32, #tpu.memory_space<hbm>> -> memref<1x624x128xf32, #tpu.memory_space<hbm>>
      %dma_start3A_18 = tpu.memref_squeeze %dma_start3A_17 : memref<1x624x128xf32, #tpu.memory_space<hbm>> -> memref<624x128xf32, #tpu.memory_space<hbm>>
      %dma_start3A_19 = arith.constant 0 : i32
      %dma_start3A_20 = tpu.memref_slice %arg7[%mul3A_2, %dma_start3A_19] : memref<10000x128xf32, #tpu.memory_space<vmem_shared>> -> memref<624x128xf32, #tpu.memory_space<vmem_shared>>
      tpu.enqueue_dma source(%dma_start3A_20 : memref<624x128xf32, #tpu.memory_space<vmem_shared>>) target(%dma_start3A_18 : memref<624x128xf32, #tpu.memory_space<hbm>>) target_semaphore(%run_scoped3A : memref<!tpu.dma_semaphore, #tpu.memory_space<semaphore_mem>>)
      %dma_wait3A = arith.constant 0 : i32
      %dma_wait3A_21 = tpu.memref_slice %arg6[%arg0, %mul3A_2, %dma_wait3A] : memref<2x10000x128xf32, #tpu.memory_space<hbm>> -> memref<1x624x128xf32, #tpu.memory_space<hbm>>
      %dma_wait3A_22 = tpu.memref_squeeze %dma_wait3A_21 : memref<1x624x128xf32, #tpu.memory_space<hbm>> -> memref<624x128xf32, #tpu.memory_space<hbm>>
      %dma_wait3A_23 = arith.constant 0 : i32
      %dma_wait3A_24 = tpu.memref_slice %arg7[%mul3A_2, %dma_wait3A_23] : memref<10000x128xf32, #tpu.memory_space<vmem_shared>> -> memref<624x128xf32, #tpu.memory_space<vmem_shared>>
      tpu.wait_dma2 semaphore(%run_scoped3A : memref<!tpu.dma_semaphore, #tpu.memory_space<semaphore_mem>>) src(%dma_wait3A_24 : memref<624x128xf32, #tpu.memory_space<vmem_shared>>) dst(%dma_wait3A_22 : memref<624x128xf32, #tpu.memory_space<hbm>>)
      tpu.yield
    }) : () -> ()
    %eq3A_12 = arith.constant 15 : i32
    %eq3A_13 = arith.cmpi eq, %arg1, %eq3A_12 : i32
    %convert_element_type3A_14 = arith.extui %eq3A_13 : i1 to i32
    %cond3A_15 = arith.constant 0 : i32
    %cond3A_16 = arith.cmpi ne, %convert_element_type3A_14, %cond3A_15 : i32
    scf.if %cond3A_16 {
      "tpu.region"() ({
        %run_scoped3A = tpu.sem_alloc : memref<!tpu.dma_semaphore, #tpu.memory_space<semaphore_mem>>
        %dma_start3A = arith.constant 9984 : i32
        %dma_start3A_17 = arith.constant 0 : i32
        %dma_start3A_18 = tpu.memref_slice %arg6[%arg0, %dma_start3A, %dma_start3A_17] : memref<2x10000x128xf32, #tpu.memory_space<hbm>> -> memref<1x16x128xf32, #tpu.memory_space<hbm>>
        %dma_start3A_19 = tpu.memref_squeeze %dma_start3A_18 : memref<1x16x128xf32, #tpu.memory_space<hbm>> -> memref<16x128xf32, #tpu.memory_space<hbm>>
        %dma_start3A_20 = arith.constant 9984 : i32
        %dma_start3A_21 = arith.constant 0 : i32
        %dma_start3A_22 = tpu.memref_slice %arg7[%dma_start3A_20, %dma_start3A_21] : memref<10000x128xf32, #tpu.memory_space<vmem_shared>> -> memref<16x128xf32, #tpu.memory_space<vmem_shared>>
        tpu.enqueue_dma source(%dma_start3A_22 : memref<16x128xf32, #tpu.memory_space<vmem_shared>>) target(%dma_start3A_19 : memref<16x128xf32, #tpu.memory_space<hbm>>) target_semaphore(%run_scoped3A : memref<!tpu.dma_semaphore, #tpu.memory_space<semaphore_mem>>)
        %dma_wait3A = arith.constant 9984 : i32
        %dma_wait3A_23 = arith.constant 0 : i32
        %dma_wait3A_24 = tpu.memref_slice %arg6[%arg0, %dma_wait3A, %dma_wait3A_23] : memref<2x10000x128xf32, #tpu.memory_space<hbm>> -> memref<1x16x128xf32, #tpu.memory_space<hbm>>
        %dma_wait3A_25 = tpu.memref_squeeze %dma_wait3A_24 : memref<1x16x128xf32, #tpu.memory_space<hbm>> -> memref<16x128xf32, #tpu.memory_space<hbm>>
        %dma_wait3A_26 = arith.constant 9984 : i32
        %dma_wait3A_27 = arith.constant 0 : i32
        %dma_wait3A_28 = tpu.memref_slice %arg7[%dma_wait3A_26, %dma_wait3A_27] : memref<10000x128xf32, #tpu.memory_space<vmem_shared>> -> memref<16x128xf32, #tpu.memory_space<vmem_shared>>
        tpu.wait_dma2 semaphore(%run_scoped3A : memref<!tpu.dma_semaphore, #tpu.memory_space<semaphore_mem>>) src(%dma_wait3A_28 : memref<16x128xf32, #tpu.memory_space<vmem_shared>>) dst(%dma_wait3A_25 : memref<16x128xf32, #tpu.memory_space<hbm>>)
        tpu.yield
      }) : () -> ()
    } else {
    }
    return
  }
}

module attributes {stable_mosaic.version = 14 : i64} {
  func.func @_xw_body(%arg0: memref<10000x128xf32, #tpu.memory_space<vmem>>, %arg1: memref<128x128xf32, #tpu.memory_space<vmem>>, %arg2: memref<10000x128xf32, #tpu.memory_space<vmem>>) attributes {dimension_semantics = [], scalar_prefetch = 0 : i64, scratch_operands = 0 : i64, tpu.core_type = #tpu.core_type<tc>} {
    %get3A = arith.constant 0 : index
    %get3A_0 = arith.constant 0 : index
    %get3A_1 = vector.load %arg0[%get3A, %get3A_0] : memref<10000x128xf32, #tpu.memory_space<vmem>>, vector<10000x128xf32>
    %get3A_2 = arith.constant 0 : index
    %get3A_3 = arith.constant 0 : index
    %get3A_4 = vector.load %arg1[%get3A_2, %get3A_3] : memref<128x128xf32, #tpu.memory_space<vmem>>, vector<128x128xf32>
    %dot_general3A = arith.constant dense<0.000000e+00> : vector<10000x128xf32>
    %dot_general3A_5 = tpu.matmul %get3A_1, %get3A_4, %dot_general3A {dimension_numbers = #tpu.dot_dimension_numbers<[1], [0], [0], [1], [0, 0, 1, 1], [], []>, precision = #tpu.contract_precision<fp32>, transpose_lhs_hint = false} : vector<10000x128xf32>, vector<128x128xf32>, vector<10000x128xf32> -> vector<10000x128xf32>
    %swap3A = arith.constant 0 : index
    %swap3A_6 = arith.constant 0 : index
    %swap3A_7 = vector.load %arg2[%swap3A, %swap3A_6] : memref<10000x128xf32, #tpu.memory_space<vmem>>, vector<10000x128xf32>
    tpu.vector_store %arg2[%swap3A, %swap3A_6], %dot_general3A_5 {strides = array<i32>} : memref<10000x128xf32, #tpu.memory_space<vmem>>, vector<10000x128xf32>,
    return
  }
}

module attributes {stable_mosaic.version = 14 : i64} {
  func.func @_conv_body(%arg0: memref<10000x128xf32, #tpu.memory_space<vmem>>, %arg1: memref<2x10000x128xf32, #tpu.memory_space<vmem>>, %arg2: memref<128x128xf32, #tpu.memory_space<vmem>>, %arg3: memref<1x128xf32, #tpu.memory_space<vmem>>, %arg4: memref<1x128xf32, #tpu.memory_space<vmem>>, %arg5: memref<1x128xf32, #tpu.memory_space<vmem>>, %arg6: memref<10000x128xf32, #tpu.memory_space<vmem>>) attributes {dimension_semantics = [], scalar_prefetch = 0 : i64, scratch_operands = 0 : i64, tpu.core_type = #tpu.core_type<tc>} {
    %get3A = arith.constant 0 : index
    %get3A_0 = arith.constant 0 : index
    %get3A_1 = arith.constant 0 : index
    %get3A_2 = vector.load %arg1[%get3A, %get3A_0, %get3A_1] : memref<2x10000x128xf32, #tpu.memory_space<vmem>>, vector<1x10000x128xf32>
    %get3A_3 = vector.shape_cast %get3A_2 : vector<1x10000x128xf32> to vector<10000x128xf32>
    %get3A_4 = arith.constant 1 : index
    %get3A_5 = arith.constant 0 : index
    %get3A_6 = arith.constant 0 : index
    %get3A_7 = vector.load %arg1[%get3A_4, %get3A_5, %get3A_6] : memref<2x10000x128xf32, #tpu.memory_space<vmem>>, vector<1x10000x128xf32>
    %get3A_8 = vector.shape_cast %get3A_7 : vector<1x10000x128xf32> to vector<10000x128xf32>
    %add3A = arith.addf %get3A_3, %get3A_8 : vector<10000x128xf32>
    %get3A_9 = arith.constant 0 : index
    %get3A_10 = arith.constant 0 : index
    %get3A_11 = vector.load %arg0[%get3A_9, %get3A_10] : memref<10000x128xf32, #tpu.memory_space<vmem>>, vector<10000x128xf32>
    %get3A_12 = arith.constant 0 : index
    %get3A_13 = arith.constant 0 : index
    %get3A_14 = vector.load %arg2[%get3A_12, %get3A_13] : memref<128x128xf32, #tpu.memory_space<vmem>>, vector<128x128xf32>
    %dot_general3A = arith.constant dense<0.000000e+00> : vector<10000x128xf32>
    %dot_general3A_15 = tpu.matmul %add3A, %get3A_14, %dot_general3A {dimension_numbers = #tpu.dot_dimension_numbers<[1], [0], [0], [1], [0, 0, 1, 1], [], []>, precision = #tpu.contract_precision<fp32>, transpose_lhs_hint = false} : vector<10000x128xf32>, vector<128x128xf32>, vector<10000x128xf32> -> vector<10000x128xf32>
    %add3A_16 = arith.addf %get3A_11, %dot_general3A_15 : vector<10000x128xf32>
    %get3A_17 = arith.constant 0 : index
    %get3A_18 = arith.constant 0 : index
    %get3A_19 = vector.load %arg3[%get3A_17, %get3A_18] : memref<1x128xf32, #tpu.memory_space<vmem>>, vector<1x128xf32>
    %add3A_20 = vector.broadcast %get3A_19 : vector<1x128xf32> to vector<10000x128xf32>
    %add3A_21 = arith.addf %add3A_16, %add3A_20 : vector<10000x128xf32>
    %tanh3A = math.tanh %add3A_21 : vector<10000x128xf32>
    %reduce_sum3A = arith.constant dense<0.000000e+00> : vector<128xf32>
    %reduce_sum3A_22 = vector.multi_reduction <add>, %tanh3A, %reduce_sum3A [0] : vector<10000x128xf32> to vector<128xf32>
    %broadcast_in_dim3A = vector.shape_cast %reduce_sum3A_22 : vector<128xf32> to vector<1x128xf32>
    %div3A = arith.constant 1.000000e+04 : f32
    %div3A_23 = vector.broadcast %div3A : f32 to vector<1x128xf32>
    %div3A_24 = arith.divf %broadcast_in_dim3A, %div3A_23 : vector<1x128xf32>
    %sub3A = vector.broadcast %div3A_24 : vector<1x128xf32> to vector<10000x128xf32>
    %sub3A_25 = arith.subf %tanh3A, %sub3A : vector<10000x128xf32>
    %integer_pow3A = arith.mulf %sub3A_25, %sub3A_25 : vector<10000x128xf32>
    %reduce_sum3A_26 = arith.constant dense<0.000000e+00> : vector<128xf32>
    %reduce_sum3A_27 = vector.multi_reduction <add>, %integer_pow3A, %reduce_sum3A_26 [0] : vector<10000x128xf32> to vector<128xf32>
    %broadcast_in_dim3A_28 = vector.shape_cast %reduce_sum3A_27 : vector<128xf32> to vector<1x128xf32>
    %div3A_29 = arith.constant 1.000000e+04 : f32
    %div3A_30 = vector.broadcast %div3A_29 : f32 to vector<1x128xf32>
    %div3A_31 = arith.divf %broadcast_in_dim3A_28, %div3A_30 : vector<1x128xf32>
    %get3A_32 = arith.constant 0 : index
    %get3A_33 = arith.constant 0 : index
    %get3A_34 = vector.load %arg4[%get3A_32, %get3A_33] : memref<1x128xf32, #tpu.memory_space<vmem>>, vector<1x128xf32>
    %sub3A_35 = vector.broadcast %div3A_24 : vector<1x128xf32> to vector<10000x128xf32>
    %sub3A_36 = arith.subf %tanh3A, %sub3A_35 : vector<10000x128xf32>
    %mul3A = vector.broadcast %get3A_34 : vector<1x128xf32> to vector<10000x128xf32>
    %mul3A_37 = arith.mulf %mul3A, %sub3A_36 : vector<10000x128xf32>
    %add3A_38 = arith.constant 1.000000e-03 : f32
    %add3A_39 = vector.broadcast %add3A_38 : f32 to vector<1x128xf32>
    %add3A_40 = arith.addf %div3A_31, %add3A_39 : vector<1x128xf32>
    %rsqrt3A = math.rsqrt %add3A_40 : vector<1x128xf32>
    %mul3A_41 = vector.broadcast %rsqrt3A : vector<1x128xf32> to vector<10000x128xf32>
    %mul3A_42 = arith.mulf %mul3A_37, %mul3A_41 : vector<10000x128xf32>
    %get3A_43 = arith.constant 0 : index
    %get3A_44 = arith.constant 0 : index
    %get3A_45 = vector.load %arg5[%get3A_43, %get3A_44] : memref<1x128xf32, #tpu.memory_space<vmem>>, vector<1x128xf32>
    %add3A_46 = vector.broadcast %get3A_45 : vector<1x128xf32> to vector<10000x128xf32>
    %add3A_47 = arith.addf %mul3A_42, %add3A_46 : vector<10000x128xf32>
    %swap3A = arith.constant 0 : index
    %swap3A_48 = arith.constant 0 : index
    %swap3A_49 = vector.load %arg6[%swap3A, %swap3A_48] : memref<10000x128xf32, #tpu.memory_space<vmem>>, vector<10000x128xf32>
    tpu.vector_store %arg6[%swap3A, %swap3A_48], %add3A_47 {strides = array<i32>} : memref<10000x128xf32, #tpu.memory_space<vmem>>, vector<10000x128xf32>,
    return
  }
}

module attributes {stable_mosaic.version = 14 : i64} {
  func.func @_readout_body(%arg0: memref<1x10000xi32, #tpu.memory_space<vmem>>, %arg1: memref<156x64xi32, #tpu.memory_space<vmem>>, %arg2: memref<10000xi32, #tpu.memory_space<smem>>, %arg3: memref<256x12xf32, #tpu.memory_space<vmem>>, %arg4: memref<256x12xf32, #tpu.memory_space<vmem>>, %arg5: memref<1x12xf32, #tpu.memory_space<vmem>>, %arg6: memref<1x12xf32, #tpu.memory_space<vmem>>, %arg7: memref<10000x128xf32, #tpu.memory_space<vmem>>, %arg8: memref<64x12xf32, #tpu.memory_space<vmem>>, %arg9: memref<64x12xf32, #tpu.memory_space<vmem>>, %arg10: memref<64x128xf32, #tpu.memory_space<vmem>>, %arg11: memref<1250x128xf32, #tpu.memory_space<vmem>>, %arg12: memref<156x128xf32, #tpu.memory_space<vmem>>) attributes {dimension_semantics = [], scalar_prefetch = 0 : i64, scratch_operands = 3 : i64, tpu.core_type = #tpu.core_type<tc>} {
    %get3A = arith.constant 0 : index
    %get3A_0 = arith.constant 0 : index
    %get3A_1 = vector.load %arg7[%get3A, %get3A_0] : memref<10000x128xf32, #tpu.memory_space<vmem>>, vector<10000x128xf32>
    %iota3A = tpu.iota {dimensions = array<i32: 0>} : vector<64x10000xi32>
    %get3A_2 = arith.constant 0 : index
    %get3A_3 = arith.constant 0 : index
    %get3A_4 = vector.load %arg0[%get3A_2, %get3A_3] : memref<1x10000xi32, #tpu.memory_space<vmem>>, vector<1x10000xi32>
    %eq3A = vector.broadcast %get3A_4 : vector<1x10000xi32> to vector<64x10000xi32>
    %eq3A_5 = arith.cmpi eq, %iota3A, %eq3A : vector<64x10000xi32>
    %jit3A = arith.constant 1.000000e+00 : f32
    %jit3A_6 = arith.constant 0.000000e+00 : f32
    %broadcast_in_dim3A = vector.broadcast %jit3A : f32 to vector<64x10000xf32>
    %broadcast_in_dim3A_7 = vector.broadcast %jit3A_6 : f32 to vector<64x10000xf32>
    %select_n3A = arith.select %eq3A_5, %broadcast_in_dim3A, %broadcast_in_dim3A_7 : vector<64x10000xi1>, vector<64x10000xf32>
    %convert_element_type3A = arith.truncf %select_n3A : vector<64x10000xf32> to vector<64x10000xbf16>
    %convert_element_type3A_8 = arith.truncf %get3A_1 : vector<10000x128xf32> to vector<10000x128xbf16>
    %convert_element_type3A_9 = arith.extf %convert_element_type3A_8 : vector<10000x128xbf16> to vector<10000x128xf32>
    %sub3A = arith.subf %get3A_1, %convert_element_type3A_9 : vector<10000x128xf32>
    %convert_element_type3A_10 = arith.truncf %sub3A : vector<10000x128xf32> to vector<10000x128xbf16>
    %dot_general3A = arith.constant dense<0.000000e+00> : vector<64x128xf32>
    %dot_general3A_11 = tpu.matmul %convert_element_type3A, %convert_element_type3A_8, %dot_general3A {dimension_numbers = #tpu.dot_dimension_numbers<[1], [0], [0], [1], [0, 0, 1, 1], [], []>, transpose_lhs_hint = false} : vector<64x10000xbf16>, vector<10000x128xbf16>, vector<64x128xf32> -> vector<64x128xf32>
    %dot_general3A_12 = arith.constant dense<0.000000e+00> : vector<64x128xf32>
    %dot_general3A_13 = tpu.matmul %convert_element_type3A, %convert_element_type3A_10, %dot_general3A_12 {dimension_numbers = #tpu.dot_dimension_numbers<[1], [0], [0], [1], [0, 0, 1, 1], [], []>, transpose_lhs_hint = false} : vector<64x10000xbf16>, vector<10000x128xbf16>, vector<64x128xf32> -> vector<64x128xf32>
    %add3A = arith.addf %dot_general3A_11, %dot_general3A_13 : vector<64x128xf32>
    %reshape3A = vector.shape_cast %get3A_1 : vector<10000x128xf32> to vector<1250x8x128xf32>
    %reduce_max3A = arith.constant dense<0xFF800000> : vector<1250x128xf32>
    %reduce_max3A_14 = vector.multi_reduction <maximumf>, %reshape3A, %reduce_max3A [1] : vector<1250x8x128xf32> to vector<1250x128xf32>
    %swap3A = arith.constant 0 : index
    %swap3A_15 = arith.constant 0 : index
    %swap3A_16 = vector.load %arg11[%swap3A, %swap3A_15] : memref<1250x128xf32, #tpu.memory_space<vmem>>, vector<1250x128xf32>
    tpu.vector_store %arg11[%swap3A, %swap3A_15], %reduce_max3A_14 {strides = array<i32>} : memref<1250x128xf32, #tpu.memory_space<vmem>>, vector<1250x128xf32>,
    %get3A_17 = arith.constant 0 : index
    %get3A_18 = arith.constant 0 : index
    %get3A_19 = vector.load %arg11[%get3A_17, %get3A_18] : memref<1250x128xf32, #tpu.memory_space<vmem>>, vector<1248x128xf32>
    %reshape3A_20 = vector.shape_cast %get3A_19 : vector<1248x128xf32> to vector<156x8x128xf32>
    %reduce_max3A_21 = arith.constant dense<0xFF800000> : vector<156x128xf32>
    %reduce_max3A_22 = vector.multi_reduction <maximumf>, %reshape3A_20, %reduce_max3A_21 [1] : vector<156x8x128xf32> to vector<156x128xf32>
    %swap3A_23 = arith.constant 0 : index
    %swap3A_24 = arith.constant 0 : index
    %swap3A_25 = vector.load %arg12[%swap3A_23, %swap3A_24] : memref<156x128xf32, #tpu.memory_space<vmem>>, vector<156x128xf32>
    tpu.vector_store %arg12[%swap3A_23, %swap3A_24], %reduce_max3A_22 {strides = array<i32>} : memref<156x128xf32, #tpu.memory_space<vmem>>, vector<156x128xf32>,
    %get3A_26 = arith.constant 0 : index
    %get3A_27 = arith.constant 0 : index
    %get3A_28 = vector.load %arg1[%get3A_26, %get3A_27] : memref<156x64xi32, #tpu.memory_space<vmem>>, vector<156x1xi32>
    %get3A_29 = arith.constant 0 : index
    %get3A_30 = arith.constant 63 : index
    %get3A_31 = vector.load %arg1[%get3A_29, %get3A_30] : memref<156x64xi32, #tpu.memory_space<vmem>>, vector<156x1xi32>
    %scan3A = arith.constant 0xFF800000 : f32
    %scan3A_32 = arith.constant 0 : i32
    %scan3A_33 = arith.constant 50 : i32
    %scan3A_34 = arith.addi %scan3A_32, %scan3A_33 : i32
    %scan3A_35 = arith.constant 1 : i32
    scf.for %scan3A_270 = %scan3A_32 to %scan3A_34 step %scan3A_35  : i32 {
      %eq3A_271 = vector.broadcast %scan3A_270 : i32 to vector<156x1xi32>
      %eq3A_272 = arith.cmpi eq, %get3A_28, %eq3A_271 : vector<156x1xi32>
      %eq3A_273 = vector.broadcast %scan3A_270 : i32 to vector<156x1xi32>
      %eq3A_274 = arith.cmpi eq, %get3A_31, %eq3A_273 : vector<156x1xi32>
      %and3A = arith.andi %eq3A_272, %eq3A_274 : vector<156x1xi1>
      %get3A_275 = arith.constant 0 : index
      %get3A_276 = arith.constant 0 : index
      %get3A_277 = vector.load %arg12[%get3A_275, %get3A_276] : memref<156x128xf32, #tpu.memory_space<vmem>>, vector<156x128xf32>
      %broadcast_in_dim3A_278 = vector.shape_cast %and3A : vector<156x1xi1> to vector<156x1xi1>
      %broadcast_in_dim3A_279 = vector.broadcast %broadcast_in_dim3A_278 : vector<156x1xi1> to vector<156x128xi1>
      %broadcast_in_dim3A_280 = vector.broadcast %scan3A : f32 to vector<156x128xf32>
      %select_n3A_281 = arith.select %broadcast_in_dim3A_279, %get3A_277, %broadcast_in_dim3A_280 : vector<156x128xi1>, vector<156x128xf32>
      %reduce_max3A_282 = arith.constant dense<0xFF800000> : vector<128xf32>
      %reduce_max3A_283 = vector.multi_reduction <maximumf>, %select_n3A_281, %reduce_max3A_282 [0] : vector<156x128xf32> to vector<128xf32>
      %broadcast_in_dim3A_284 = vector.shape_cast %reduce_max3A_283 : vector<128xf32> to vector<1x128xf32>
      %swap3A_285 = arith.index_cast %scan3A_270 : i32 to index
      %swap3A_286 = arith.constant 0 : index
      %swap3A_287 = vector.load %arg10[%swap3A_285, %swap3A_286] : memref<64x128xf32, #tpu.memory_space<vmem>>, vector<1x128xf32>
      tpu.vector_store %arg10[%swap3A_285, %swap3A_286], %broadcast_in_dim3A_284 {strides = array<i32>} : memref<64x128xf32, #tpu.memory_space<vmem>>, vector<1x128xf32>,
    }
    %scan3A_36 = arith.constant 50 : i32
    %get3A_37 = arith.constant 9984 : index
    %get3A_38 = memref.load %arg2[%get3A_37] : memref<10000xi32, #tpu.memory_space<smem>>
    %get3A_39 = arith.index_cast %get3A_38 : i32 to index
    %get3A_40 = arith.constant 0 : index
    %get3A_41 = vector.load %arg10[%get3A_39, %get3A_40] : memref<64x128xf32, #tpu.memory_space<vmem>>, vector<1x128xf32>
    %get3A_42 = arith.constant 9984 : index
    %get3A_43 = arith.constant 0 : index
    %get3A_44 = vector.load %arg7[%get3A_42, %get3A_43] : memref<10000x128xf32, #tpu.memory_space<vmem>>, vector<1x128xf32>
    %max3A = arith.maximumf %get3A_41, %get3A_44 : vector<1x128xf32>
    %swap3A_45 = arith.index_cast %get3A_38 : i32 to index
    %swap3A_46 = arith.constant 0 : index
    %swap3A_47 = vector.load %arg10[%swap3A_45, %swap3A_46] : memref<64x128xf32, #tpu.memory_space<vmem>>, vector<1x128xf32>
    tpu.vector_store %arg10[%swap3A_45, %swap3A_46], %max3A {strides = array<i32>} : memref<64x128xf32, #tpu.memory_space<vmem>>, vector<1x128xf32>,
    %get3A_48 = arith.constant 9985 : index
    %get3A_49 = memref.load %arg2[%get3A_48] : memref<10000xi32, #tpu.memory_space<smem>>
    %get3A_50 = arith.index_cast %get3A_49 : i32 to index
    %get3A_51 = arith.constant 0 : index
    %get3A_52 = vector.load %arg10[%get3A_50, %get3A_51] : memref<64x128xf32, #tpu.memory_space<vmem>>, vector<1x128xf32>
    %get3A_53 = arith.constant 9985 : index
    %get3A_54 = arith.constant 0 : index
    %get3A_55 = vector.load %arg7[%get3A_53, %get3A_54] : memref<10000x128xf32, #tpu.memory_space<vmem>>, vector<1x128xf32>
    %max3A_56 = arith.maximumf %get3A_52, %get3A_55 : vector<1x128xf32>
    %swap3A_57 = arith.index_cast %get3A_49 : i32 to index
    %swap3A_58 = arith.constant 0 : index
    %swap3A_59 = vector.load %arg10[%swap3A_57, %swap3A_58] : memref<64x128xf32, #tpu.memory_space<vmem>>, vector<1x128xf32>
    tpu.vector_store %arg10[%swap3A_57, %swap3A_58], %max3A_56 {strides = array<i32>} : memref<64x128xf32, #tpu.memory_space<vmem>>, vector<1x128xf32>,
    %get3A_60 = arith.constant 9986 : index
    %get3A_61 = memref.load %arg2[%get3A_60] : memref<10000xi32, #tpu.memory_space<smem>>
    %get3A_62 = arith.index_cast %get3A_61 : i32 to index
    %get3A_63 = arith.constant 0 : index
    %get3A_64 = vector.load %arg10[%get3A_62, %get3A_63] : memref<64x128xf32, #tpu.memory_space<vmem>>, vector<1x128xf32>
    %get3A_65 = arith.constant 9986 : index
    %get3A_66 = arith.constant 0 : index
    %get3A_67 = vector.load %arg7[%get3A_65, %get3A_66] : memref<10000x128xf32, #tpu.memory_space<vmem>>, vector<1x128xf32>
    %max3A_68 = arith.maximumf %get3A_64, %get3A_67 : vector<1x128xf32>
    %swap3A_69 = arith.index_cast %get3A_61 : i32 to index
    %swap3A_70 = arith.constant 0 : index
    %swap3A_71 = vector.load %arg10[%swap3A_69, %swap3A_70] : memref<64x128xf32, #tpu.memory_space<vmem>>, vector<1x128xf32>
    tpu.vector_store %arg10[%swap3A_69, %swap3A_70], %max3A_68 {strides = array<i32>} : memref<64x128xf32, #tpu.memory_space<vmem>>, vector<1x128xf32>,
    %get3A_72 = arith.constant 9987 : index
    %get3A_73 = memref.load %arg2[%get3A_72] : memref<10000xi32, #tpu.memory_space<smem>>
    %get3A_74 = arith.index_cast %get3A_73 : i32 to index
    %get3A_75 = arith.constant 0 : index
    %get3A_76 = vector.load %arg10[%get3A_74, %get3A_75] : memref<64x128xf32, #tpu.memory_space<vmem>>, vector<1x128xf32>
    %get3A_77 = arith.constant 9987 : index
    %get3A_78 = arith.constant 0 : index
    %get3A_79 = vector.load %arg7[%get3A_77, %get3A_78] : memref<10000x128xf32, #tpu.memory_space<vmem>>, vector<1x128xf32>
    %max3A_80 = arith.maximumf %get3A_76, %get3A_79 : vector<1x128xf32>
    %swap3A_81 = arith.index_cast %get3A_73 : i32 to index
    %swap3A_82 = arith.constant 0 : index
    %swap3A_83 = vector.load %arg10[%swap3A_81, %swap3A_82] : memref<64x128xf32, #tpu.memory_space<vmem>>, vector<1x128xf32>
    tpu.vector_store %arg10[%swap3A_81, %swap3A_82], %max3A_80 {strides = array<i32>} : memref<64x128xf32, #tpu.memory_space<vmem>>, vector<1x128xf32>,
    %get3A_84 = arith.constant 9988 : index
    %get3A_85 = memref.load %arg2[%get3A_84] : memref<10000xi32, #tpu.memory_space<smem>>
    %get3A_86 = arith.index_cast %get3A_85 : i32 to index
    %get3A_87 = arith.constant 0 : index
    %get3A_88 = vector.load %arg10[%get3A_86, %get3A_87] : memref<64x128xf32, #tpu.memory_space<vmem>>, vector<1x128xf32>
    %get3A_89 = arith.constant 9988 : index
    %get3A_90 = arith.constant 0 : index
    %get3A_91 = vector.load %arg7[%get3A_89, %get3A_90] : memref<10000x128xf32, #tpu.memory_space<vmem>>, vector<1x128xf32>
    %max3A_92 = arith.maximumf %get3A_88, %get3A_91 : vector<1x128xf32>
    %swap3A_93 = arith.index_cast %get3A_85 : i32 to index
    %swap3A_94 = arith.constant 0 : index
    %swap3A_95 = vector.load %arg10[%swap3A_93, %swap3A_94] : memref<64x128xf32, #tpu.memory_space<vmem>>, vector<1x128xf32>
    tpu.vector_store %arg10[%swap3A_93, %swap3A_94], %max3A_92 {strides = array<i32>} : memref<64x128xf32, #tpu.memory_space<vmem>>, vector<1x128xf32>,
    %get3A_96 = arith.constant 9989 : index
    %get3A_97 = memref.load %arg2[%get3A_96] : memref<10000xi32, #tpu.memory_space<smem>>
    %get3A_98 = arith.index_cast %get3A_97 : i32 to index
    %get3A_99 = arith.constant 0 : index
    %get3A_100 = vector.load %arg10[%get3A_98, %get3A_99] : memref<64x128xf32, #tpu.memory_space<vmem>>, vector<1x128xf32>
    %get3A_101 = arith.constant 9989 : index
    %get3A_102 = arith.constant 0 : index
    %get3A_103 = vector.load %arg7[%get3A_101, %get3A_102] : memref<10000x128xf32, #tpu.memory_space<vmem>>, vector<1x128xf32>
    %max3A_104 = arith.maximumf %get3A_100, %get3A_103 : vector<1x128xf32>
    %swap3A_105 = arith.index_cast %get3A_97 : i32 to index
    %swap3A_106 = arith.constant 0 : index
    %swap3A_107 = vector.load %arg10[%swap3A_105, %swap3A_106] : memref<64x128xf32, #tpu.memory_space<vmem>>, vector<1x128xf32>
    tpu.vector_store %arg10[%swap3A_105, %swap3A_106], %max3A_104 {strides = array<i32>} : memref<64x128xf32, #tpu.memory_space<vmem>>, vector<1x128xf32>,
    %get3A_108 = arith.constant 9990 : index
    %get3A_109 = memref.load %arg2[%get3A_108] : memref<10000xi32, #tpu.memory_space<smem>>
    %get3A_110 = arith.index_cast %get3A_109 : i32 to index
    %get3A_111 = arith.constant 0 : index
    %get3A_112 = vector.load %arg10[%get3A_110, %get3A_111] : memref<64x128xf32, #tpu.memory_space<vmem>>, vector<1x128xf32>
    %get3A_113 = arith.constant 9990 : index
    %get3A_114 = arith.constant 0 : index
    %get3A_115 = vector.load %arg7[%get3A_113, %get3A_114] : memref<10000x128xf32, #tpu.memory_space<vmem>>, vector<1x128xf32>
    %max3A_116 = arith.maximumf %get3A_112, %get3A_115 : vector<1x128xf32>
    %swap3A_117 = arith.index_cast %get3A_109 : i32 to index
    %swap3A_118 = arith.constant 0 : index
    %swap3A_119 = vector.load %arg10[%swap3A_117, %swap3A_118] : memref<64x128xf32, #tpu.memory_space<vmem>>, vector<1x128xf32>
    tpu.vector_store %arg10[%swap3A_117, %swap3A_118], %max3A_116 {strides = array<i32>} : memref<64x128xf32, #tpu.memory_space<vmem>>, vector<1x128xf32>,
    %get3A_120 = arith.constant 9991 : index
    %get3A_121 = memref.load %arg2[%get3A_120] : memref<10000xi32, #tpu.memory_space<smem>>
    %get3A_122 = arith.index_cast %get3A_121 : i32 to index
    %get3A_123 = arith.constant 0 : index
    %get3A_124 = vector.load %arg10[%get3A_122, %get3A_123] : memref<64x128xf32, #tpu.memory_space<vmem>>, vector<1x128xf32>
    %get3A_125 = arith.constant 9991 : index
    %get3A_126 = arith.constant 0 : index
    %get3A_127 = vector.load %arg7[%get3A_125, %get3A_126] : memref<10000x128xf32, #tpu.memory_space<vmem>>, vector<1x128xf32>
    %max3A_128 = arith.maximumf %get3A_124, %get3A_127 : vector<1x128xf32>
    %swap3A_129 = arith.index_cast %get3A_121 : i32 to index
    %swap3A_130 = arith.constant 0 : index
    %swap3A_131 = vector.load %arg10[%swap3A_129, %swap3A_130] : memref<64x128xf32, #tpu.memory_space<vmem>>, vector<1x128xf32>
    tpu.vector_store %arg10[%swap3A_129, %swap3A_130], %max3A_128 {strides = array<i32>} : memref<64x128xf32, #tpu.memory_space<vmem>>, vector<1x128xf32>,
    %get3A_132 = arith.constant 9992 : index
    %get3A_133 = memref.load %arg2[%get3A_132] : memref<10000xi32, #tpu.memory_space<smem>>
    %get3A_134 = arith.index_cast %get3A_133 : i32 to index
    %get3A_135 = arith.constant 0 : index
    %get3A_136 = vector.load %arg10[%get3A_134, %get3A_135] : memref<64x128xf32, #tpu.memory_space<vmem>>, vector<1x128xf32>
    %get3A_137 = arith.constant 9992 : index
    %get3A_138 = arith.constant 0 : index
    %get3A_139 = vector.load %arg7[%get3A_137, %get3A_138] : memref<10000x128xf32, #tpu.memory_space<vmem>>, vector<1x128xf32>
    %max3A_140 = arith.maximumf %get3A_136, %get3A_139 : vector<1x128xf32>
    %swap3A_141 = arith.index_cast %get3A_133 : i32 to index
    %swap3A_142 = arith.constant 0 : index
    %swap3A_143 = vector.load %arg10[%swap3A_141, %swap3A_142] : memref<64x128xf32, #tpu.memory_space<vmem>>, vector<1x128xf32>
    tpu.vector_store %arg10[%swap3A_141, %swap3A_142], %max3A_140 {strides = array<i32>} : memref<64x128xf32, #tpu.memory_space<vmem>>, vector<1x128xf32>,
    %get3A_144 = arith.constant 9993 : index
    %get3A_145 = memref.load %arg2[%get3A_144] : memref<10000xi32, #tpu.memory_space<smem>>
    %get3A_146 = arith.index_cast %get3A_145 : i32 to index
    %get3A_147 = arith.constant 0 : index
    %get3A_148 = vector.load %arg10[%get3A_146, %get3A_147] : memref<64x128xf32, #tpu.memory_space<vmem>>, vector<1x128xf32>
    %get3A_149 = arith.constant 9993 : index
    %get3A_150 = arith.constant 0 : index
    %get3A_151 = vector.load %arg7[%get3A_149, %get3A_150] : memref<10000x128xf32, #tpu.memory_space<vmem>>, vector<1x128xf32>
    %max3A_152 = arith.maximumf %get3A_148, %get3A_151 : vector<1x128xf32>
    %swap3A_153 = arith.index_cast %get3A_145 : i32 to index
    %swap3A_154 = arith.constant 0 : index
    %swap3A_155 = vector.load %arg10[%swap3A_153, %swap3A_154] : memref<64x128xf32, #tpu.memory_space<vmem>>, vector<1x128xf32>
    tpu.vector_store %arg10[%swap3A_153, %swap3A_154], %max3A_152 {strides = array<i32>} : memref<64x128xf32, #tpu.memory_space<vmem>>, vector<1x128xf32>,
    %get3A_156 = arith.constant 9994 : index
    %get3A_157 = memref.load %arg2[%get3A_156] : memref<10000xi32, #tpu.memory_space<smem>>
    %get3A_158 = arith.index_cast %get3A_157 : i32 to index
    %get3A_159 = arith.constant 0 : index
    %get3A_160 = vector.load %arg10[%get3A_158, %get3A_159] : memref<64x128xf32, #tpu.memory_space<vmem>>, vector<1x128xf32>
    %get3A_161 = arith.constant 9994 : index
    %get3A_162 = arith.constant 0 : index
    %get3A_163 = vector.load %arg7[%get3A_161, %get3A_162] : memref<10000x128xf32, #tpu.memory_space<vmem>>, vector<1x128xf32>
    %max3A_164 = arith.maximumf %get3A_160, %get3A_163 : vector<1x128xf32>
    %swap3A_165 = arith.index_cast %get3A_157 : i32 to index
    %swap3A_166 = arith.constant 0 : index
    %swap3A_167 = vector.load %arg10[%swap3A_165, %swap3A_166] : memref<64x128xf32, #tpu.memory_space<vmem>>, vector<1x128xf32>
    tpu.vector_store %arg10[%swap3A_165, %swap3A_166], %max3A_164 {strides = array<i32>} : memref<64x128xf32, #tpu.memory_space<vmem>>, vector<1x128xf32>,
    %get3A_168 = arith.constant 9995 : index
    %get3A_169 = memref.load %arg2[%get3A_168] : memref<10000xi32, #tpu.memory_space<smem>>
    %get3A_170 = arith.index_cast %get3A_169 : i32 to index
    %get3A_171 = arith.constant 0 : index
    %get3A_172 = vector.load %arg10[%get3A_170, %get3A_171] : memref<64x128xf32, #tpu.memory_space<vmem>>, vector<1x128xf32>
    %get3A_173 = arith.constant 9995 : index
    %get3A_174 = arith.constant 0 : index
    %get3A_175 = vector.load %arg7[%get3A_173, %get3A_174] : memref<10000x128xf32, #tpu.memory_space<vmem>>, vector<1x128xf32>
    %max3A_176 = arith.maximumf %get3A_172, %get3A_175 : vector<1x128xf32>
    %swap3A_177 = arith.index_cast %get3A_169 : i32 to index
    %swap3A_178 = arith.constant 0 : index
    %swap3A_179 = vector.load %arg10[%swap3A_177, %swap3A_178] : memref<64x128xf32, #tpu.memory_space<vmem>>, vector<1x128xf32>
    tpu.vector_store %arg10[%swap3A_177, %swap3A_178], %max3A_176 {strides = array<i32>} : memref<64x128xf32, #tpu.memory_space<vmem>>, vector<1x128xf32>,
    %get3A_180 = arith.constant 9996 : index
    %get3A_181 = memref.load %arg2[%get3A_180] : memref<10000xi32, #tpu.memory_space<smem>>
    %get3A_182 = arith.index_cast %get3A_181 : i32 to index
    %get3A_183 = arith.constant 0 : index
    %get3A_184 = vector.load %arg10[%get3A_182, %get3A_183] : memref<64x128xf32, #tpu.memory_space<vmem>>, vector<1x128xf32>
    %get3A_185 = arith.constant 9996 : index
    %get3A_186 = arith.constant 0 : index
    %get3A_187 = vector.load %arg7[%get3A_185, %get3A_186] : memref<10000x128xf32, #tpu.memory_space<vmem>>, vector<1x128xf32>
    %max3A_188 = arith.maximumf %get3A_184, %get3A_187 : vector<1x128xf32>
    %swap3A_189 = arith.index_cast %get3A_181 : i32 to index
    %swap3A_190 = arith.constant 0 : index
    %swap3A_191 = vector.load %arg10[%swap3A_189, %swap3A_190] : memref<64x128xf32, #tpu.memory_space<vmem>>, vector<1x128xf32>
    tpu.vector_store %arg10[%swap3A_189, %swap3A_190], %max3A_188 {strides = array<i32>} : memref<64x128xf32, #tpu.memory_space<vmem>>, vector<1x128xf32>,
    %get3A_192 = arith.constant 9997 : index
    %get3A_193 = memref.load %arg2[%get3A_192] : memref<10000xi32, #tpu.memory_space<smem>>
    %get3A_194 = arith.index_cast %get3A_193 : i32 to index
    %get3A_195 = arith.constant 0 : index
    %get3A_196 = vector.load %arg10[%get3A_194, %get3A_195] : memref<64x128xf32, #tpu.memory_space<vmem>>, vector<1x128xf32>
    %get3A_197 = arith.constant 9997 : index
    %get3A_198 = arith.constant 0 : index
    %get3A_199 = vector.load %arg7[%get3A_197, %get3A_198] : memref<10000x128xf32, #tpu.memory_space<vmem>>, vector<1x128xf32>
    %max3A_200 = arith.maximumf %get3A_196, %get3A_199 : vector<1x128xf32>
    %swap3A_201 = arith.index_cast %get3A_193 : i32 to index
    %swap3A_202 = arith.constant 0 : index
    %swap3A_203 = vector.load %arg10[%swap3A_201, %swap3A_202] : memref<64x128xf32, #tpu.memory_space<vmem>>, vector<1x128xf32>
    tpu.vector_store %arg10[%swap3A_201, %swap3A_202], %max3A_200 {strides = array<i32>} : memref<64x128xf32, #tpu.memory_space<vmem>>, vector<1x128xf32>,
    %get3A_204 = arith.constant 9998 : index
    %get3A_205 = memref.load %arg2[%get3A_204] : memref<10000xi32, #tpu.memory_space<smem>>
    %get3A_206 = arith.index_cast %get3A_205 : i32 to index
    %get3A_207 = arith.constant 0 : index
    %get3A_208 = vector.load %arg10[%get3A_206, %get3A_207] : memref<64x128xf32, #tpu.memory_space<vmem>>, vector<1x128xf32>
    %get3A_209 = arith.constant 9998 : index
    %get3A_210 = arith.constant 0 : index
    %get3A_211 = vector.load %arg7[%get3A_209, %get3A_210] : memref<10000x128xf32, #tpu.memory_space<vmem>>, vector<1x128xf32>
    %max3A_212 = arith.maximumf %get3A_208, %get3A_211 : vector<1x128xf32>
    %swap3A_213 = arith.index_cast %get3A_205 : i32 to index
    %swap3A_214 = arith.constant 0 : index
    %swap3A_215 = vector.load %arg10[%swap3A_213, %swap3A_214] : memref<64x128xf32, #tpu.memory_space<vmem>>, vector<1x128xf32>
    tpu.vector_store %arg10[%swap3A_213, %swap3A_214], %max3A_212 {strides = array<i32>} : memref<64x128xf32, #tpu.memory_space<vmem>>, vector<1x128xf32>,
    %get3A_216 = arith.constant 9999 : index
    %get3A_217 = memref.load %arg2[%get3A_216] : memref<10000xi32, #tpu.memory_space<smem>>
    %get3A_218 = arith.index_cast %get3A_217 : i32 to index
    %get3A_219 = arith.constant 0 : index
    %get3A_220 = vector.load %arg10[%get3A_218, %get3A_219] : memref<64x128xf32, #tpu.memory_space<vmem>>, vector<1x128xf32>
    %get3A_221 = arith.constant 9999 : index
    %get3A_222 = arith.constant 0 : index
    %get3A_223 = vector.load %arg7[%get3A_221, %get3A_222] : memref<10000x128xf32, #tpu.memory_space<vmem>>, vector<1x128xf32>
    %max3A_224 = arith.maximumf %get3A_220, %get3A_223 : vector<1x128xf32>
    %swap3A_225 = arith.index_cast %get3A_217 : i32 to index
    %swap3A_226 = arith.constant 0 : index
    %swap3A_227 = vector.load %arg10[%swap3A_225, %swap3A_226] : memref<64x128xf32, #tpu.memory_space<vmem>>, vector<1x128xf32>
    tpu.vector_store %arg10[%swap3A_225, %swap3A_226], %max3A_224 {strides = array<i32>} : memref<64x128xf32, #tpu.memory_space<vmem>>, vector<1x128xf32>,
    %scan3A_228 = arith.constant 1 : i32
    %scan3A_229 = arith.constant 49 : i32
    %scan3A_230 = arith.addi %scan3A_228, %scan3A_229 : i32
    %scan3A_231 = arith.constant 1 : i32
    scf.for %scan3A_270 = %scan3A_228 to %scan3A_230 step %scan3A_231  : i32 {
      %while3A = arith.constant 0 : i32
      %while3A_271 = arith.constant 10000 : i32
      %while3A_272:2 = scf.while (%while3A_298 = %while3A, %while3A_299 = %while3A_271) : (i32, i32) -> (i32, i32) {
        %lt3A_300 = arith.cmpi slt, %while3A_298, %while3A_299 : i32
        scf.condition(%lt3A_300) %while3A_298, %while3A_299 : i32, i32
      } do {
      ^bb0(%while3A_298: i32, %while3A_299: i32):
        %add3A_300 = arith.addi %while3A_298, %while3A_299 : i32
        %jit3A_301 = arith.constant 2 : i32
        %div3A_302 = arith.divsi %add3A_300, %jit3A_301 : i32
        %sign3A_303 = arith.constant 0 : i32
        %sign3A_304 = arith.cmpi sgt, %add3A_300, %sign3A_303 : i32
        %sign3A_305 = arith.extui %sign3A_304 : i1 to i32
        %sign3A_306 = arith.constant 0 : i32
        %sign3A_307 = arith.cmpi slt, %add3A_300, %sign3A_306 : i32
        %sign3A_308 = arith.extui %sign3A_307 : i1 to i32
        %sign3A_309 = arith.subi %sign3A_305, %sign3A_308 : i32
        %sign3A_310 = arith.constant 0 : i32
        %sign3A_311 = arith.cmpi sgt, %jit3A_301, %sign3A_310 : i32
        %sign3A_312 = arith.extui %sign3A_311 : i1 to i32
        %sign3A_313 = arith.constant 0 : i32
        %sign3A_314 = arith.cmpi slt, %jit3A_301, %sign3A_313 : i32
        %sign3A_315 = arith.extui %sign3A_314 : i1 to i32
        %sign3A_316 = arith.subi %sign3A_312, %sign3A_315 : i32
        %ne3A_317 = arith.cmpi ne, %sign3A_309, %sign3A_316 : i32
        %rem3A_318 = arith.remsi %add3A_300, %jit3A_301 : i32
        %ne3A_319 = arith.constant 0 : i32
        %ne3A_320 = arith.cmpi ne, %rem3A_318, %ne3A_319 : i32
        %and3A_321 = arith.andi %ne3A_317, %ne3A_320 : i1
        %sub3A_322 = arith.constant 1 : i32
        %sub3A_323 = arith.subi %div3A_302, %sub3A_322 : i32
        %select_n3A_324 = arith.select %and3A_321, %sub3A_323, %div3A_302 : i32
        %get3A_325 = arith.index_cast %select_n3A_324 : i32 to index
        %get3A_326 = memref.load %arg2[%get3A_325] : memref<10000xi32, #tpu.memory_space<smem>>
        %ge3A = arith.cmpi sge, %get3A_326, %scan3A_270 : i32
        %add3A_327 = arith.constant 1 : i32
        %add3A_328 = arith.addi %select_n3A_324, %add3A_327 : i32
        %select_n3A_329 = arith.select %ge3A, %while3A_298, %add3A_328 : i32
        %select_n3A_330 = arith.select %ge3A, %select_n3A_324, %while3A_299 : i32
        scf.yield %select_n3A_329, %select_n3A_330 : i32, i32
      }
      %jit3A_273 = arith.constant 64 : i32
      %div3A_274 = arith.divsi %while3A_272#0, %jit3A_273 : i32
      %sign3A = arith.constant 0 : i32
      %sign3A_275 = arith.cmpi sgt, %while3A_272#0, %sign3A : i32
      %sign3A_276 = arith.extui %sign3A_275 : i1 to i32
      %sign3A_277 = arith.constant 0 : i32
      %sign3A_278 = arith.cmpi slt, %while3A_272#0, %sign3A_277 : i32
      %sign3A_279 = arith.extui %sign3A_278 : i1 to i32
      %sign3A_280 = arith.subi %sign3A_276, %sign3A_279 : i32
      %sign3A_281 = arith.constant 0 : i32
      %sign3A_282 = arith.cmpi sgt, %jit3A_273, %sign3A_281 : i32
      %sign3A_283 = arith.extui %sign3A_282 : i1 to i32
      %sign3A_284 = arith.constant 0 : i32
      %sign3A_285 = arith.cmpi slt, %jit3A_273, %sign3A_284 : i32
      %sign3A_286 = arith.extui %sign3A_285 : i1 to i32
      %sign3A_287 = arith.subi %sign3A_283, %sign3A_286 : i32
      %ne3A = arith.cmpi ne, %sign3A_280, %sign3A_287 : i32
      %rem3A = arith.remsi %while3A_272#0, %jit3A_273 : i32
      %ne3A_288 = arith.constant 0 : i32
      %ne3A_289 = arith.cmpi ne, %rem3A, %ne3A_288 : i32
      %and3A = arith.andi %ne3A, %ne3A_289 : i1
      %sub3A_290 = arith.constant 1 : i32
      %sub3A_291 = arith.subi %div3A_274, %sub3A_290 : i32
      %select_n3A_292 = arith.select %and3A, %sub3A_291, %div3A_274 : i32
      %gt3A = arith.constant 0 : i32
      %gt3A_293 = arith.cmpi sgt, %while3A_272#0, %gt3A : i32
      %lt3A = arith.constant 9984 : i32
      %lt3A_294 = arith.cmpi slt, %while3A_272#0, %lt3A : i32
      %and3A_295 = arith.andi %gt3A_293, %lt3A_294 : i1
      %convert_element_type3A_296 = arith.extui %and3A_295 : i1 to i32
      %cond3A = arith.constant 0 : i32
      %cond3A_297 = arith.cmpi ne, %convert_element_type3A_296, %cond3A : i32
      scf.if %cond3A_297 {
        %mul3A_298 = arith.constant 64 : i32
        %mul3A_299 = arith.muli %select_n3A_292, %mul3A_298 : i32
        %add3A_300 = arith.constant 0 : i32
        %add3A_301 = arith.addi %mul3A_299, %add3A_300 : i32
        %get3A_302 = arith.index_cast %add3A_301 : i32 to index
        %get3A_303 = memref.load %arg2[%get3A_302] : memref<10000xi32, #tpu.memory_space<smem>>
        %add3A_304 = arith.constant 7 : i32
        %add3A_305 = arith.addi %add3A_301, %add3A_304 : i32
        %get3A_306 = arith.index_cast %add3A_305 : i32 to index
        %get3A_307 = memref.load %arg2[%get3A_306] : memref<10000xi32, #tpu.memory_space<smem>>
        %eq3A_308 = arith.cmpi eq, %get3A_303, %get3A_307 : i32
        %convert_element_type3A_309 = arith.extui %eq3A_308 : i1 to i32
        %cond3A_310 = arith.constant 0 : i32
        %cond3A_311 = arith.cmpi ne, %convert_element_type3A_309, %cond3A_310 : i32
        scf.if %cond3A_311 {
          %get3A_442 = arith.index_cast %get3A_303 : i32 to index
          %get3A_443 = arith.constant 0 : index
          %get3A_444 = vector.load %arg10[%get3A_442, %get3A_443] : memref<64x128xf32, #tpu.memory_space<vmem>>, vector<1x128xf32>
          %mul3A_445 = arith.constant 8 : i32
          %mul3A_446 = arith.muli %select_n3A_292, %mul3A_445 : i32
          %add3A_447 = arith.constant 0 : i32
          %add3A_448 = arith.addi %mul3A_446, %add3A_447 : i32
          %get3A_449 = arith.index_cast %add3A_448 : i32 to index
          %get3A_450 = arith.constant 0 : index
          %get3A_451 = vector.load %arg11[%get3A_449, %get3A_450] : memref<1250x128xf32, #tpu.memory_space<vmem>>, vector<1x128xf32>
          %max3A_452 = arith.maximumf %get3A_444, %get3A_451 : vector<1x128xf32>
          %swap3A_453 = arith.index_cast %get3A_303 : i32 to index
          %swap3A_454 = arith.constant 0 : index
          %swap3A_455 = vector.load %arg10[%swap3A_453, %swap3A_454] : memref<64x128xf32, #tpu.memory_space<vmem>>, vector<1x128xf32>
          tpu.vector_store %arg10[%swap3A_453, %swap3A_454], %max3A_452 {strides = array<i32>} : memref<64x128xf32, #tpu.memory_space<vmem>>, vector<1x128xf32>,
        } else {
        }
        %ne3A_312 = arith.cmpi ne, %get3A_303, %get3A_307 : i32
        %convert_element_type3A_313 = arith.extui %ne3A_312 : i1 to i32
        %cond3A_314 = arith.constant 0 : i32
        %cond3A_315 = arith.cmpi ne, %convert_element_type3A_313, %cond3A_314 : i32
        scf.if %cond3A_315 {
          %add3A_442 = arith.constant 0 : i32
          %add3A_443 = arith.addi %add3A_301, %add3A_442 : i32
          %get3A_444 = arith.index_cast %add3A_443 : i32 to index
          %get3A_445 = memref.load %arg2[%get3A_444] : memref<10000xi32, #tpu.memory_space<smem>>
          %get3A_446 = arith.index_cast %get3A_445 : i32 to index
          %get3A_447 = arith.constant 0 : index
          %get3A_448 = vector.load %arg10[%get3A_446, %get3A_447] : memref<64x128xf32, #tpu.memory_space<vmem>>, vector<1x128xf32>
          %get3A_449 = arith.index_cast %add3A_443 : i32 to index
          %get3A_450 = arith.constant 0 : index
          %get3A_451 = vector.load %arg7[%get3A_449, %get3A_450] : memref<10000x128xf32, #tpu.memory_space<vmem>>, vector<1x128xf32>
          %max3A_452 = arith.maximumf %get3A_448, %get3A_451 : vector<1x128xf32>
          %swap3A_453 = arith.index_cast %get3A_445 : i32 to index
          %swap3A_454 = arith.constant 0 : index
          %swap3A_455 = vector.load %arg10[%swap3A_453, %swap3A_454] : memref<64x128xf32, #tpu.memory_space<vmem>>, vector<1x128xf32>
          tpu.vector_store %arg10[%swap3A_453, %swap3A_454], %max3A_452 {strides = array<i32>} : memref<64x128xf32, #tpu.memory_space<vmem>>, vector<1x128xf32>,
          %add3A_456 = arith.constant 1 : i32
          %add3A_457 = arith.addi %add3A_301, %add3A_456 : i32
          %get3A_458 = arith.index_cast %add3A_457 : i32 to index
          %get3A_459 = memref.load %arg2[%get3A_458] : memref<10000xi32, #tpu.memory_space<smem>>
          %get3A_460 = arith.index_cast %get3A_459 : i32 to index
          %get3A_461 = arith.constant 0 : index
          %get3A_462 = vector.load %arg10[%get3A_460, %get3A_461] : memref<64x128xf32, #tpu.memory_space<vmem>>, vector<1x128xf32>
          %get3A_463 = arith.index_cast %add3A_457 : i32 to index
          %get3A_464 = arith.constant 0 : index
          %get3A_465 = vector.load %arg7[%get3A_463, %get3A_464] : memref<10000x128xf32, #tpu.memory_space<vmem>>, vector<1x128xf32>
          %max3A_466 = arith.maximumf %get3A_462, %get3A_465 : vector<1x128xf32>
          %swap3A_467 = arith.index_cast %get3A_459 : i32 to index
          %swap3A_468 = arith.constant 0 : index
          %swap3A_469 = vector.load %arg10[%swap3A_467, %swap3A_468] : memref<64x128xf32, #tpu.memory_space<vmem>>, vector<1x128xf32>
          tpu.vector_store %arg10[%swap3A_467, %swap3A_468], %max3A_466 {strides = array<i32>} : memref<64x128xf32, #tpu.memory_space<vmem>>, vector<1x128xf32>,
          %add3A_470 = arith.constant 2 : i32
          %add3A_471 = arith.addi %add3A_301, %add3A_470 : i32
          %get3A_472 = arith.index_cast %add3A_471 : i32 to index
          %get3A_473 = memref.load %arg2[%get3A_472] : memref<10000xi32, #tpu.memory_space<smem>>
          %get3A_474 = arith.index_cast %get3A_473 : i32 to index
          %get3A_475 = arith.constant 0 : index
          %get3A_476 = vector.load %arg10[%get3A_474, %get3A_475] : memref<64x128xf32, #tpu.memory_space<vmem>>, vector<1x128xf32>
          %get3A_477 = arith.index_cast %add3A_471 : i32 to index
          %get3A_478 = arith.constant 0 : index
          %get3A_479 = vector.load %arg7[%get3A_477, %get3A_478] : memref<10000x128xf32, #tpu.memory_space<vmem>>, vector<1x128xf32>
          %max3A_480 = arith.maximumf %get3A_476, %get3A_479 : vector<1x128xf32>
          %swap3A_481 = arith.index_cast %get3A_473 : i32 to index
          %swap3A_482 = arith.constant 0 : index
          %swap3A_483 = vector.load %arg10[%swap3A_481, %swap3A_482] : memref<64x128xf32, #tpu.memory_space<vmem>>, vector<1x128xf32>
          tpu.vector_store %arg10[%swap3A_481, %swap3A_482], %max3A_480 {strides = array<i32>} : memref<64x128xf32, #tpu.memory_space<vmem>>, vector<1x128xf32>,
          %add3A_484 = arith.constant 3 : i32
          %add3A_485 = arith.addi %add3A_301, %add3A_484 : i32
          %get3A_486 = arith.index_cast %add3A_485 : i32 to index
          %get3A_487 = memref.load %arg2[%get3A_486] : memref<10000xi32, #tpu.memory_space<smem>>
          %get3A_488 = arith.index_cast %get3A_487 : i32 to index
          %get3A_489 = arith.constant 0 : index
          %get3A_490 = vector.load %arg10[%get3A_488, %get3A_489] : memref<64x128xf32, #tpu.memory_space<vmem>>, vector<1x128xf32>
          %get3A_491 = arith.index_cast %add3A_485 : i32 to index
          %get3A_492 = arith.constant 0 : index
          %get3A_493 = vector.load %arg7[%get3A_491, %get3A_492] : memref<10000x128xf32, #tpu.memory_space<vmem>>, vector<1x128xf32>
          %max3A_494 = arith.maximumf %get3A_490, %get3A_493 : vector<1x128xf32>
          %swap3A_495 = arith.index_cast %get3A_487 : i32 to index
          %swap3A_496 = arith.constant 0 : index
          %swap3A_497 = vector.load %arg10[%swap3A_495, %swap3A_496] : memref<64x128xf32, #tpu.memory_space<vmem>>, vector<1x128xf32>
          tpu.vector_store %arg10[%swap3A_495, %swap3A_496], %max3A_494 {strides = array<i32>} : memref<64x128xf32, #tpu.memory_space<vmem>>, vector<1x128xf32>,
          %add3A_498 = arith.constant 4 : i32
          %add3A_499 = arith.addi %add3A_301, %add3A_498 : i32
          %get3A_500 = arith.index_cast %add3A_499 : i32 to index
          %get3A_501 = memref.load %arg2[%get3A_500] : memref<10000xi32, #tpu.memory_space<smem>>
          %get3A_502 = arith.index_cast %get3A_501 : i32 to index
          %get3A_503 = arith.constant 0 : index
          %get3A_504 = vector.load %arg10[%get3A_502, %get3A_503] : memref<64x128xf32, #tpu.memory_space<vmem>>, vector<1x128xf32>
          %get3A_505 = arith.index_cast %add3A_499 : i32 to index
          %get3A_506 = arith.constant 0 : index
          %get3A_507 = vector.load %arg7[%get3A_505, %get3A_506] : memref<10000x128xf32, #tpu.memory_space<vmem>>, vector<1x128xf32>
          %max3A_508 = arith.maximumf %get3A_504, %get3A_507 : vector<1x128xf32>
          %swap3A_509 = arith.index_cast %get3A_501 : i32 to index
          %swap3A_510 = arith.constant 0 : index
          %swap3A_511 = vector.load %arg10[%swap3A_509, %swap3A_510] : memref<64x128xf32, #tpu.memory_space<vmem>>, vector<1x128xf32>
          tpu.vector_store %arg10[%swap3A_509, %swap3A_510], %max3A_508 {strides = array<i32>} : memref<64x128xf32, #tpu.memory_space<vmem>>, vector<1x128xf32>,
          %add3A_512 = arith.constant 5 : i32
          %add3A_513 = arith.addi %add3A_301, %add3A_512 : i32
          %get3A_514 = arith.index_cast %add3A_513 : i32 to index
          %get3A_515 = memref.load %arg2[%get3A_514] : memref<10000xi32, #tpu.memory_space<smem>>
          %get3A_516 = arith.index_cast %get3A_515 : i32 to index
          %get3A_517 = arith.constant 0 : index
          %get3A_518 = vector.load %arg10[%get3A_516, %get3A_517] : memref<64x128xf32, #tpu.memory_space<vmem>>, vector<1x128xf32>
          %get3A_519 = arith.index_cast %add3A_513 : i32 to index
          %get3A_520 = arith.constant 0 : index
          %get3A_521 = vector.load %arg7[%get3A_519, %get3A_520] : memref<10000x128xf32, #tpu.memory_space<vmem>>, vector<1x128xf32>
          %max3A_522 = arith.maximumf %get3A_518, %get3A_521 : vector<1x128xf32>
          %swap3A_523 = arith.index_cast %get3A_515 : i32 to index
          %swap3A_524 = arith.constant 0 : index
          %swap3A_525 = vector.load %arg10[%swap3A_523, %swap3A_524] : memref<64x128xf32, #tpu.memory_space<vmem>>, vector<1x128xf32>
          tpu.vector_store %arg10[%swap3A_523, %swap3A_524], %max3A_522 {strides = array<i32>} : memref<64x128xf32, #tpu.memory_space<vmem>>, vector<1x128xf32>,
          %add3A_526 = arith.constant 6 : i32
          %add3A_527 = arith.addi %add3A_301, %add3A_526 : i32
          %get3A_528 = arith.index_cast %add3A_527 : i32 to index
          %get3A_529 = memref.load %arg2[%get3A_528] : memref<10000xi32, #tpu.memory_space<smem>>
          %get3A_530 = arith.index_cast %get3A_529 : i32 to index
          %get3A_531 = arith.constant 0 : index
          %get3A_532 = vector.load %arg10[%get3A_530, %get3A_531] : memref<64x128xf32, #tpu.memory_space<vmem>>, vector<1x128xf32>
          %get3A_533 = arith.index_cast %add3A_527 : i32 to index
          %get3A_534 = arith.constant 0 : index
          %get3A_535 = vector.load %arg7[%get3A_533, %get3A_534] : memref<10000x128xf32, #tpu.memory_space<vmem>>, vector<1x128xf32>
          %max3A_536 = arith.maximumf %get3A_532, %get3A_535 : vector<1x128xf32>
          %swap3A_537 = arith.index_cast %get3A_529 : i32 to index
          %swap3A_538 = arith.constant 0 : index
          %swap3A_539 = vector.load %arg10[%swap3A_537, %swap3A_538] : memref<64x128xf32, #tpu.memory_space<vmem>>, vector<1x128xf32>
          tpu.vector_store %arg10[%swap3A_537, %swap3A_538], %max3A_536 {strides = array<i32>} : memref<64x128xf32, #tpu.memory_space<vmem>>, vector<1x128xf32>,
          %add3A_540 = arith.constant 7 : i32
          %add3A_541 = arith.addi %add3A_301, %add3A_540 : i32
          %get3A_542 = arith.index_cast %add3A_541 : i32 to index
          %get3A_543 = memref.load %arg2[%get3A_542] : memref<10000xi32, #tpu.memory_space<smem>>
          %get3A_544 = arith.index_cast %get3A_543 : i32 to index
          %get3A_545 = arith.constant 0 : index
          %get3A_546 = vector.load %arg10[%get3A_544, %get3A_545] : memref<64x128xf32, #tpu.memory_space<vmem>>, vector<1x128xf32>
          %get3A_547 = arith.index_cast %add3A_541 : i32 to index
          %get3A_548 = arith.constant 0 : index
          %get3A_549 = vector.load %arg7[%get3A_547, %get3A_548] : memref<10000x128xf32, #tpu.memory_space<vmem>>, vector<1x128xf32>
          %max3A_550 = arith.maximumf %get3A_546, %get3A_549 : vector<1x128xf32>
          %swap3A_551 = arith.index_cast %get3A_543 : i32 to index
          %swap3A_552 = arith.constant 0 : index
          %swap3A_553 = vector.load %arg10[%swap3A_551, %swap3A_552] : memref<64x128xf32, #tpu.memory_space<vmem>>, vector<1x128xf32>
          tpu.vector_store %arg10[%swap3A_551, %swap3A_552], %max3A_550 {strides = array<i32>} : memref<64x128xf32, #tpu.memory_space<vmem>>, vector<1x128xf32>,
        } else {
        }
        %mul3A_316 = arith.constant 64 : i32
        %mul3A_317 = arith.muli %select_n3A_292, %mul3A_316 : i32
        %add3A_318 = arith.constant 8 : i32
        %add3A_319 = arith.addi %mul3A_317, %add3A_318 : i32
        %get3A_320 = arith.index_cast %add3A_319 : i32 to index
        %get3A_321 = memref.load %arg2[%get3A_320] : memref<10000xi32, #tpu.memory_space<smem>>
        %add3A_322 = arith.constant 7 : i32
        %add3A_323 = arith.addi %add3A_319, %add3A_322 : i32
        %get3A_324 = arith.index_cast %add3A_323 : i32 to index
        %get3A_325 = memref.load %arg2[%get3A_324] : memref<10000xi32, #tpu.memory_space<smem>>
        %eq3A_326 = arith.cmpi eq, %get3A_321, %get3A_325 : i32
        %convert_element_type3A_327 = arith.extui %eq3A_326 : i1 to i32
        %cond3A_328 = arith.constant 0 : i32
        %cond3A_329 = arith.cmpi ne, %convert_element_type3A_327, %cond3A_328 : i32
        scf.if %cond3A_329 {
          %get3A_442 = arith.index_cast %get3A_321 : i32 to index
          %get3A_443 = arith.constant 0 : index
          %get3A_444 = vector.load %arg10[%get3A_442, %get3A_443] : memref<64x128xf32, #tpu.memory_space<vmem>>, vector<1x128xf32>
          %mul3A_445 = arith.constant 8 : i32
          %mul3A_446 = arith.muli %select_n3A_292, %mul3A_445 : i32
          %add3A_447 = arith.constant 1 : i32
          %add3A_448 = arith.addi %mul3A_446, %add3A_447 : i32
          %get3A_449 = arith.index_cast %add3A_448 : i32 to index
          %get3A_450 = arith.constant 0 : index
          %get3A_451 = vector.load %arg11[%get3A_449, %get3A_450] : memref<1250x128xf32, #tpu.memory_space<vmem>>, vector<1x128xf32>
          %max3A_452 = arith.maximumf %get3A_444, %get3A_451 : vector<1x128xf32>
          %swap3A_453 = arith.index_cast %get3A_321 : i32 to index
          %swap3A_454 = arith.constant 0 : index
          %swap3A_455 = vector.load %arg10[%swap3A_453, %swap3A_454] : memref<64x128xf32, #tpu.memory_space<vmem>>, vector<1x128xf32>
          tpu.vector_store %arg10[%swap3A_453, %swap3A_454], %max3A_452 {strides = array<i32>} : memref<64x128xf32, #tpu.memory_space<vmem>>, vector<1x128xf32>,
        } else {
        }
        %ne3A_330 = arith.cmpi ne, %get3A_321, %get3A_325 : i32
        %convert_element_type3A_331 = arith.extui %ne3A_330 : i1 to i32
        %cond3A_332 = arith.constant 0 : i32
        %cond3A_333 = arith.cmpi ne, %convert_element_type3A_331, %cond3A_332 : i32
        scf.if %cond3A_333 {
          %add3A_442 = arith.constant 0 : i32
          %add3A_443 = arith.addi %add3A_319, %add3A_442 : i32
          %get3A_444 = arith.index_cast %add3A_443 : i32 to index
          %get3A_445 = memref.load %arg2[%get3A_444] : memref<10000xi32, #tpu.memory_space<smem>>
          %get3A_446 = arith.index_cast %get3A_445 : i32 to index
          %get3A_447 = arith.constant 0 : index
          %get3A_448 = vector.load %arg10[%get3A_446, %get3A_447] : memref<64x128xf32, #tpu.memory_space<vmem>>, vector<1x128xf32>
          %get3A_449 = arith.index_cast %add3A_443 : i32 to index
          %get3A_450 = arith.constant 0 : index
          %get3A_451 = vector.load %arg7[%get3A_449, %get3A_450] : memref<10000x128xf32, #tpu.memory_space<vmem>>, vector<1x128xf32>
          %max3A_452 = arith.maximumf %get3A_448, %get3A_451 : vector<1x128xf32>
          %swap3A_453 = arith.index_cast %get3A_445 : i32 to index
          %swap3A_454 = arith.constant 0 : index
          %swap3A_455 = vector.load %arg10[%swap3A_453, %swap3A_454] : memref<64x128xf32, #tpu.memory_space<vmem>>, vector<1x128xf32>
          tpu.vector_store %arg10[%swap3A_453, %swap3A_454], %max3A_452 {strides = array<i32>} : memref<64x128xf32, #tpu.memory_space<vmem>>, vector<1x128xf32>,
          %add3A_456 = arith.constant 1 : i32
          %add3A_457 = arith.addi %add3A_319, %add3A_456 : i32
          %get3A_458 = arith.index_cast %add3A_457 : i32 to index
          %get3A_459 = memref.load %arg2[%get3A_458] : memref<10000xi32, #tpu.memory_space<smem>>
          %get3A_460 = arith.index_cast %get3A_459 : i32 to index
          %get3A_461 = arith.constant 0 : index
          %get3A_462 = vector.load %arg10[%get3A_460, %get3A_461] : memref<64x128xf32, #tpu.memory_space<vmem>>, vector<1x128xf32>
          %get3A_463 = arith.index_cast %add3A_457 : i32 to index
          %get3A_464 = arith.constant 0 : index
          %get3A_465 = vector.load %arg7[%get3A_463, %get3A_464] : memref<10000x128xf32, #tpu.memory_space<vmem>>, vector<1x128xf32>
          %max3A_466 = arith.maximumf %get3A_462, %get3A_465 : vector<1x128xf32>
          %swap3A_467 = arith.index_cast %get3A_459 : i32 to index
          %swap3A_468 = arith.constant 0 : index
          %swap3A_469 = vector.load %arg10[%swap3A_467, %swap3A_468] : memref<64x128xf32, #tpu.memory_space<vmem>>, vector<1x128xf32>
          tpu.vector_store %arg10[%swap3A_467, %swap3A_468], %max3A_466 {strides = array<i32>} : memref<64x128xf32, #tpu.memory_space<vmem>>, vector<1x128xf32>,
          %add3A_470 = arith.constant 2 : i32
          %add3A_471 = arith.addi %add3A_319, %add3A_470 : i32
          %get3A_472 = arith.index_cast %add3A_471 : i32 to index
          %get3A_473 = memref.load %arg2[%get3A_472] : memref<10000xi32, #tpu.memory_space<smem>>
          %get3A_474 = arith.index_cast %get3A_473 : i32 to index
          %get3A_475 = arith.constant 0 : index
          %get3A_476 = vector.load %arg10[%get3A_474, %get3A_475] : memref<64x128xf32, #tpu.memory_space<vmem>>, vector<1x128xf32>
          %get3A_477 = arith.index_cast %add3A_471 : i32 to index
          %get3A_478 = arith.constant 0 : index
          %get3A_479 = vector.load %arg7[%get3A_477, %get3A_478] : memref<10000x128xf32, #tpu.memory_space<vmem>>, vector<1x128xf32>
          %max3A_480 = arith.maximumf %get3A_476, %get3A_479 : vector<1x128xf32>
          %swap3A_481 = arith.index_cast %get3A_473 : i32 to index
          %swap3A_482 = arith.constant 0 : index
          %swap3A_483 = vector.load %arg10[%swap3A_481, %swap3A_482] : memref<64x128xf32, #tpu.memory_space<vmem>>, vector<1x128xf32>
          tpu.vector_store %arg10[%swap3A_481, %swap3A_482], %max3A_480 {strides = array<i32>} : memref<64x128xf32, #tpu.memory_space<vmem>>, vector<1x128xf32>,
          %add3A_484 = arith.constant 3 : i32
          %add3A_485 = arith.addi %add3A_319, %add3A_484 : i32
          %get3A_486 = arith.index_cast %add3A_485 : i32 to index
          %get3A_487 = memref.load %arg2[%get3A_486] : memref<10000xi32, #tpu.memory_space<smem>>
          %get3A_488 = arith.index_cast %get3A_487 : i32 to index
          %get3A_489 = arith.constant 0 : index
          %get3A_490 = vector.load %arg10[%get3A_488, %get3A_489] : memref<64x128xf32, #tpu.memory_space<vmem>>, vector<1x128xf32>
          %get3A_491 = arith.index_cast %add3A_485 : i32 to index
          %get3A_492 = arith.constant 0 : index
          %get3A_493 = vector.load %arg7[%get3A_491, %get3A_492] : memref<10000x128xf32, #tpu.memory_space<vmem>>, vector<1x128xf32>
          %max3A_494 = arith.maximumf %get3A_490, %get3A_493 : vector<1x128xf32>
          %swap3A_495 = arith.index_cast %get3A_487 : i32 to index
          %swap3A_496 = arith.constant 0 : index
          %swap3A_497 = vector.load %arg10[%swap3A_495, %swap3A_496] : memref<64x128xf32, #tpu.memory_space<vmem>>, vector<1x128xf32>
          tpu.vector_store %arg10[%swap3A_495, %swap3A_496], %max3A_494 {strides = array<i32>} : memref<64x128xf32, #tpu.memory_space<vmem>>, vector<1x128xf32>,
          %add3A_498 = arith.constant 4 : i32
          %add3A_499 = arith.addi %add3A_319, %add3A_498 : i32
          %get3A_500 = arith.index_cast %add3A_499 : i32 to index
          %get3A_501 = memref.load %arg2[%get3A_500] : memref<10000xi32, #tpu.memory_space<smem>>
          %get3A_502 = arith.index_cast %get3A_501 : i32 to index
          %get3A_503 = arith.constant 0 : index
          %get3A_504 = vector.load %arg10[%get3A_502, %get3A_503] : memref<64x128xf32, #tpu.memory_space<vmem>>, vector<1x128xf32>
          %get3A_505 = arith.index_cast %add3A_499 : i32 to index
          %get3A_506 = arith.constant 0 : index
          %get3A_507 = vector.load %arg7[%get3A_505, %get3A_506] : memref<10000x128xf32, #tpu.memory_space<vmem>>, vector<1x128xf32>
          %max3A_508 = arith.maximumf %get3A_504, %get3A_507 : vector<1x128xf32>
          %swap3A_509 = arith.index_cast %get3A_501 : i32 to index
          %swap3A_510 = arith.constant 0 : index
          %swap3A_511 = vector.load %arg10[%swap3A_509, %swap3A_510] : memref<64x128xf32, #tpu.memory_space<vmem>>, vector<1x128xf32>
          tpu.vector_store %arg10[%swap3A_509, %swap3A_510], %max3A_508 {strides = array<i32>} : memref<64x128xf32, #tpu.memory_space<vmem>>, vector<1x128xf32>,
          %add3A_512 = arith.constant 5 : i32
          %add3A_513 = arith.addi %add3A_319, %add3A_512 : i32
          %get3A_514 = arith.index_cast %add3A_513 : i32 to index
          %get3A_515 = memref.load %arg2[%get3A_514] : memref<10000xi32, #tpu.memory_space<smem>>
          %get3A_516 = arith.index_cast %get3A_515 : i32 to index
          %get3A_517 = arith.constant 0 : index
          %get3A_518 = vector.load %arg10[%get3A_516, %get3A_517] : memref<64x128xf32, #tpu.memory_space<vmem>>, vector<1x128xf32>
          %get3A_519 = arith.index_cast %add3A_513 : i32 to index
          %get3A_520 = arith.constant 0 : index
          %get3A_521 = vector.load %arg7[%get3A_519, %get3A_520] : memref<10000x128xf32, #tpu.memory_space<vmem>>, vector<1x128xf32>
          %max3A_522 = arith.maximumf %get3A_518, %get3A_521 : vector<1x128xf32>
          %swap3A_523 = arith.index_cast %get3A_515 : i32 to index
          %swap3A_524 = arith.constant 0 : index
          %swap3A_525 = vector.load %arg10[%swap3A_523, %swap3A_524] : memref<64x128xf32, #tpu.memory_space<vmem>>, vector<1x128xf32>
          tpu.vector_store %arg10[%swap3A_523, %swap3A_524], %max3A_522 {strides = array<i32>} : memref<64x128xf32, #tpu.memory_space<vmem>>, vector<1x128xf32>,
          %add3A_526 = arith.constant 6 : i32
          %add3A_527 = arith.addi %add3A_319, %add3A_526 : i32
          %get3A_528 = arith.index_cast %add3A_527 : i32 to index
          %get3A_529 = memref.load %arg2[%get3A_528] : memref<10000xi32, #tpu.memory_space<smem>>
          %get3A_530 = arith.index_cast %get3A_529 : i32 to index
          %get3A_531 = arith.constant 0 : index
          %get3A_532 = vector.load %arg10[%get3A_530, %get3A_531] : memref<64x128xf32, #tpu.memory_space<vmem>>, vector<1x128xf32>
          %get3A_533 = arith.index_cast %add3A_527 : i32 to index
          %get3A_534 = arith.constant 0 : index
          %get3A_535 = vector.load %arg7[%get3A_533, %get3A_534] : memref<10000x128xf32, #tpu.memory_space<vmem>>, vector<1x128xf32>
          %max3A_536 = arith.maximumf %get3A_532, %get3A_535 : vector<1x128xf32>
          %swap3A_537 = arith.index_cast %get3A_529 : i32 to index
          %swap3A_538 = arith.constant 0 : index
          %swap3A_539 = vector.load %arg10[%swap3A_537, %swap3A_538] : memref<64x128xf32, #tpu.memory_space<vmem>>, vector<1x128xf32>
          tpu.vector_store %arg10[%swap3A_537, %swap3A_538], %max3A_536 {strides = array<i32>} : memref<64x128xf32, #tpu.memory_space<vmem>>, vector<1x128xf32>,
          %add3A_540 = arith.constant 7 : i32
          %add3A_541 = arith.addi %add3A_319, %add3A_540 : i32
          %get3A_542 = arith.index_cast %add3A_541 : i32 to index
          %get3A_543 = memref.load %arg2[%get3A_542] : memref<10000xi32, #tpu.memory_space<smem>>
          %get3A_544 = arith.index_cast %get3A_543 : i32 to index
          %get3A_545 = arith.constant 0 : index
          %get3A_546 = vector.load %arg10[%get3A_544, %get3A_545] : memref<64x128xf32, #tpu.memory_space<vmem>>, vector<1x128xf32>
          %get3A_547 = arith.index_cast %add3A_541 : i32 to index
          %get3A_548 = arith.constant 0 : index
          %get3A_549 = vector.load %arg7[%get3A_547, %get3A_548] : memref<10000x128xf32, #tpu.memory_space<vmem>>, vector<1x128xf32>
          %max3A_550 = arith.maximumf %get3A_546, %get3A_549 : vector<1x128xf32>
          %swap3A_551 = arith.index_cast %get3A_543 : i32 to index
          %swap3A_552 = arith.constant 0 : index
          %swap3A_553 = vector.load %arg10[%swap3A_551, %swap3A_552] : memref<64x128xf32, #tpu.memory_space<vmem>>, vector<1x128xf32>
          tpu.vector_store %arg10[%swap3A_551, %swap3A_552], %max3A_550 {strides = array<i32>} : memref<64x128xf32, #tpu.memory_space<vmem>>, vector<1x128xf32>,
        } else {
        }
        %mul3A_334 = arith.constant 64 : i32
        %mul3A_335 = arith.muli %select_n3A_292, %mul3A_334 : i32
        %add3A_336 = arith.constant 16 : i32
        %add3A_337 = arith.addi %mul3A_335, %add3A_336 : i32
        %get3A_338 = arith.index_cast %add3A_337 : i32 to index
        %get3A_339 = memref.load %arg2[%get3A_338] : memref<10000xi32, #tpu.memory_space<smem>>
        %add3A_340 = arith.constant 7 : i32
        %add3A_341 = arith.addi %add3A_337, %add3A_340 : i32
        %get3A_342 = arith.index_cast %add3A_341 : i32 to index
        %get3A_343 = memref.load %arg2[%get3A_342] : memref<10000xi32, #tpu.memory_space<smem>>
        %eq3A_344 = arith.cmpi eq, %get3A_339, %get3A_343 : i32
        %convert_element_type3A_345 = arith.extui %eq3A_344 : i1 to i32
        %cond3A_346 = arith.constant 0 : i32
        %cond3A_347 = arith.cmpi ne, %convert_element_type3A_345, %cond3A_346 : i32
        scf.if %cond3A_347 {
          %get3A_442 = arith.index_cast %get3A_339 : i32 to index
          %get3A_443 = arith.constant 0 : index
          %get3A_444 = vector.load %arg10[%get3A_442, %get3A_443] : memref<64x128xf32, #tpu.memory_space<vmem>>, vector<1x128xf32>
          %mul3A_445 = arith.constant 8 : i32
          %mul3A_446 = arith.muli %select_n3A_292, %mul3A_445 : i32
          %add3A_447 = arith.constant 2 : i32
          %add3A_448 = arith.addi %mul3A_446, %add3A_447 : i32
          %get3A_449 = arith.index_cast %add3A_448 : i32 to index
          %get3A_450 = arith.constant 0 : index
          %get3A_451 = vector.load %arg11[%get3A_449, %get3A_450] : memref<1250x128xf32, #tpu.memory_space<vmem>>, vector<1x128xf32>
          %max3A_452 = arith.maximumf %get3A_444, %get3A_451 : vector<1x128xf32>
          %swap3A_453 = arith.index_cast %get3A_339 : i32 to index
          %swap3A_454 = arith.constant 0 : index
          %swap3A_455 = vector.load %arg10[%swap3A_453, %swap3A_454] : memref<64x128xf32, #tpu.memory_space<vmem>>, vector<1x128xf32>
          tpu.vector_store %arg10[%swap3A_453, %swap3A_454], %max3A_452 {strides = array<i32>} : memref<64x128xf32, #tpu.memory_space<vmem>>, vector<1x128xf32>,
        } else {
        }
        %ne3A_348 = arith.cmpi ne, %get3A_339, %get3A_343 : i32
        %convert_element_type3A_349 = arith.extui %ne3A_348 : i1 to i32
        %cond3A_350 = arith.constant 0 : i32
        %cond3A_351 = arith.cmpi ne, %convert_element_type3A_349, %cond3A_350 : i32
        scf.if %cond3A_351 {
          %add3A_442 = arith.constant 0 : i32
          %add3A_443 = arith.addi %add3A_337, %add3A_442 : i32
          %get3A_444 = arith.index_cast %add3A_443 : i32 to index
          %get3A_445 = memref.load %arg2[%get3A_444] : memref<10000xi32, #tpu.memory_space<smem>>
          %get3A_446 = arith.index_cast %get3A_445 : i32 to index
          %get3A_447 = arith.constant 0 : index
          %get3A_448 = vector.load %arg10[%get3A_446, %get3A_447] : memref<64x128xf32, #tpu.memory_space<vmem>>, vector<1x128xf32>
          %get3A_449 = arith.index_cast %add3A_443 : i32 to index
          %get3A_450 = arith.constant 0 : index
          %get3A_451 = vector.load %arg7[%get3A_449, %get3A_450] : memref<10000x128xf32, #tpu.memory_space<vmem>>, vector<1x128xf32>
          %max3A_452 = arith.maximumf %get3A_448, %get3A_451 : vector<1x128xf32>
          %swap3A_453 = arith.index_cast %get3A_445 : i32 to index
          %swap3A_454 = arith.constant 0 : index
          %swap3A_455 = vector.load %arg10[%swap3A_453, %swap3A_454] : memref<64x128xf32, #tpu.memory_space<vmem>>, vector<1x128xf32>
          tpu.vector_store %arg10[%swap3A_453, %swap3A_454], %max3A_452 {strides = array<i32>} : memref<64x128xf32, #tpu.memory_space<vmem>>, vector<1x128xf32>,
          %add3A_456 = arith.constant 1 : i32
          %add3A_457 = arith.addi %add3A_337, %add3A_456 : i32
          %get3A_458 = arith.index_cast %add3A_457 : i32 to index
          %get3A_459 = memref.load %arg2[%get3A_458] : memref<10000xi32, #tpu.memory_space<smem>>
          %get3A_460 = arith.index_cast %get3A_459 : i32 to index
          %get3A_461 = arith.constant 0 : index
          %get3A_462 = vector.load %arg10[%get3A_460, %get3A_461] : memref<64x128xf32, #tpu.memory_space<vmem>>, vector<1x128xf32>
          %get3A_463 = arith.index_cast %add3A_457 : i32 to index
          %get3A_464 = arith.constant 0 : index
          %get3A_465 = vector.load %arg7[%get3A_463, %get3A_464] : memref<10000x128xf32, #tpu.memory_space<vmem>>, vector<1x128xf32>
          %max3A_466 = arith.maximumf %get3A_462, %get3A_465 : vector<1x128xf32>
          %swap3A_467 = arith.index_cast %get3A_459 : i32 to index
          %swap3A_468 = arith.constant 0 : index
          %swap3A_469 = vector.load %arg10[%swap3A_467, %swap3A_468] : memref<64x128xf32, #tpu.memory_space<vmem>>, vector<1x128xf32>
          tpu.vector_store %arg10[%swap3A_467, %swap3A_468], %max3A_466 {strides = array<i32>} : memref<64x128xf32, #tpu.memory_space<vmem>>, vector<1x128xf32>,
          %add3A_470 = arith.constant 2 : i32
          %add3A_471 = arith.addi %add3A_337, %add3A_470 : i32
          %get3A_472 = arith.index_cast %add3A_471 : i32 to index
          %get3A_473 = memref.load %arg2[%get3A_472] : memref<10000xi32, #tpu.memory_space<smem>>
          %get3A_474 = arith.index_cast %get3A_473 : i32 to index
          %get3A_475 = arith.constant 0 : index
          %get3A_476 = vector.load %arg10[%get3A_474, %get3A_475] : memref<64x128xf32, #tpu.memory_space<vmem>>, vector<1x128xf32>
          %get3A_477 = arith.index_cast %add3A_471 : i32 to index
          %get3A_478 = arith.constant 0 : index
          %get3A_479 = vector.load %arg7[%get3A_477, %get3A_478] : memref<10000x128xf32, #tpu.memory_space<vmem>>, vector<1x128xf32>
          %max3A_480 = arith.maximumf %get3A_476, %get3A_479 : vector<1x128xf32>
          %swap3A_481 = arith.index_cast %get3A_473 : i32 to index
          %swap3A_482 = arith.constant 0 : index
          %swap3A_483 = vector.load %arg10[%swap3A_481, %swap3A_482] : memref<64x128xf32, #tpu.memory_space<vmem>>, vector<1x128xf32>
          tpu.vector_store %arg10[%swap3A_481, %swap3A_482], %max3A_480 {strides = array<i32>} : memref<64x128xf32, #tpu.memory_space<vmem>>, vector<1x128xf32>,
          %add3A_484 = arith.constant 3 : i32
          %add3A_485 = arith.addi %add3A_337, %add3A_484 : i32
          %get3A_486 = arith.index_cast %add3A_485 : i32 to index
          %get3A_487 = memref.load %arg2[%get3A_486] : memref<10000xi32, #tpu.memory_space<smem>>
          %get3A_488 = arith.index_cast %get3A_487 : i32 to index
          %get3A_489 = arith.constant 0 : index
          %get3A_490 = vector.load %arg10[%get3A_488, %get3A_489] : memref<64x128xf32, #tpu.memory_space<vmem>>, vector<1x128xf32>
          %get3A_491 = arith.index_cast %add3A_485 : i32 to index
          %get3A_492 = arith.constant 0 : index
          %get3A_493 = vector.load %arg7[%get3A_491, %get3A_492] : memref<10000x128xf32, #tpu.memory_space<vmem>>, vector<1x128xf32>
          %max3A_494 = arith.maximumf %get3A_490, %get3A_493 : vector<1x128xf32>
          %swap3A_495 = arith.index_cast %get3A_487 : i32 to index
          %swap3A_496 = arith.constant 0 : index
          %swap3A_497 = vector.load %arg10[%swap3A_495, %swap3A_496] : memref<64x128xf32, #tpu.memory_space<vmem>>, vector<1x128xf32>
          tpu.vector_store %arg10[%swap3A_495, %swap3A_496], %max3A_494 {strides = array<i32>} : memref<64x128xf32, #tpu.memory_space<vmem>>, vector<1x128xf32>,
          %add3A_498 = arith.constant 4 : i32
          %add3A_499 = arith.addi %add3A_337, %add3A_498 : i32
          %get3A_500 = arith.index_cast %add3A_499 : i32 to index
          %get3A_501 = memref.load %arg2[%get3A_500] : memref<10000xi32, #tpu.memory_space<smem>>
          %get3A_502 = arith.index_cast %get3A_501 : i32 to index
          %get3A_503 = arith.constant 0 : index
          %get3A_504 = vector.load %arg10[%get3A_502, %get3A_503] : memref<64x128xf32, #tpu.memory_space<vmem>>, vector<1x128xf32>
          %get3A_505 = arith.index_cast %add3A_499 : i32 to index
          %get3A_506 = arith.constant 0 : index
          %get3A_507 = vector.load %arg7[%get3A_505, %get3A_506] : memref<10000x128xf32, #tpu.memory_space<vmem>>, vector<1x128xf32>
          %max3A_508 = arith.maximumf %get3A_504, %get3A_507 : vector<1x128xf32>
          %swap3A_509 = arith.index_cast %get3A_501 : i32 to index
          %swap3A_510 = arith.constant 0 : index
          %swap3A_511 = vector.load %arg10[%swap3A_509, %swap3A_510] : memref<64x128xf32, #tpu.memory_space<vmem>>, vector<1x128xf32>
          tpu.vector_store %arg10[%swap3A_509, %swap3A_510], %max3A_508 {strides = array<i32>} : memref<64x128xf32, #tpu.memory_space<vmem>>, vector<1x128xf32>,
          %add3A_512 = arith.constant 5 : i32
          %add3A_513 = arith.addi %add3A_337, %add3A_512 : i32
          %get3A_514 = arith.index_cast %add3A_513 : i32 to index
          %get3A_515 = memref.load %arg2[%get3A_514] : memref<10000xi32, #tpu.memory_space<smem>>
          %get3A_516 = arith.index_cast %get3A_515 : i32 to index
          %get3A_517 = arith.constant 0 : index
          %get3A_518 = vector.load %arg10[%get3A_516, %get3A_517] : memref<64x128xf32, #tpu.memory_space<vmem>>, vector<1x128xf32>
          %get3A_519 = arith.index_cast %add3A_513 : i32 to index
          %get3A_520 = arith.constant 0 : index
          %get3A_521 = vector.load %arg7[%get3A_519, %get3A_520] : memref<10000x128xf32, #tpu.memory_space<vmem>>, vector<1x128xf32>
          %max3A_522 = arith.maximumf %get3A_518, %get3A_521 : vector<1x128xf32>
          %swap3A_523 = arith.index_cast %get3A_515 : i32 to index
          %swap3A_524 = arith.constant 0 : index
          %swap3A_525 = vector.load %arg10[%swap3A_523, %swap3A_524] : memref<64x128xf32, #tpu.memory_space<vmem>>, vector<1x128xf32>
          tpu.vector_store %arg10[%swap3A_523, %swap3A_524], %max3A_522 {strides = array<i32>} : memref<64x128xf32, #tpu.memory_space<vmem>>, vector<1x128xf32>,
          %add3A_526 = arith.constant 6 : i32
          %add3A_527 = arith.addi %add3A_337, %add3A_526 : i32
          %get3A_528 = arith.index_cast %add3A_527 : i32 to index
          %get3A_529 = memref.load %arg2[%get3A_528] : memref<10000xi32, #tpu.memory_space<smem>>
          %get3A_530 = arith.index_cast %get3A_529 : i32 to index
          %get3A_531 = arith.constant 0 : index
          %get3A_532 = vector.load %arg10[%get3A_530, %get3A_531] : memref<64x128xf32, #tpu.memory_space<vmem>>, vector<1x128xf32>
          %get3A_533 = arith.index_cast %add3A_527 : i32 to index
          %get3A_534 = arith.constant 0 : index
          %get3A_535 = vector.load %arg7[%get3A_533, %get3A_534] : memref<10000x128xf32, #tpu.memory_space<vmem>>, vector<1x128xf32>
          %max3A_536 = arith.maximumf %get3A_532, %get3A_535 : vector<1x128xf32>
          %swap3A_537 = arith.index_cast %get3A_529 : i32 to index
          %swap3A_538 = arith.constant 0 : index
          %swap3A_539 = vector.load %arg10[%swap3A_537, %swap3A_538] : memref<64x128xf32, #tpu.memory_space<vmem>>, vector<1x128xf32>
          tpu.vector_store %arg10[%swap3A_537, %swap3A_538], %max3A_536 {strides = array<i32>} : memref<64x128xf32, #tpu.memory_space<vmem>>, vector<1x128xf32>,
          %add3A_540 = arith.constant 7 : i32
          %add3A_541 = arith.addi %add3A_337, %add3A_540 : i32
          %get3A_542 = arith.index_cast %add3A_541 : i32 to index
          %get3A_543 = memref.load %arg2[%get3A_542] : memref<10000xi32, #tpu.memory_space<smem>>
          %get3A_544 = arith.index_cast %get3A_543 : i32 to index
          %get3A_545 = arith.constant 0 : index
          %get3A_546 = vector.load %arg10[%get3A_544, %get3A_545] : memref<64x128xf32, #tpu.memory_space<vmem>>, vector<1x128xf32>
          %get3A_547 = arith.index_cast %add3A_541 : i32 to index
          %get3A_548 = arith.constant 0 : index
          %get3A_549 = vector.load %arg7[%get3A_547, %get3A_548] : memref<10000x128xf32, #tpu.memory_space<vmem>>, vector<1x128xf32>
          %max3A_550 = arith.maximumf %get3A_546, %get3A_549 : vector<1x128xf32>
          %swap3A_551 = arith.index_cast %get3A_543 : i32 to index
          %swap3A_552 = arith.constant 0 : index
          %swap3A_553 = vector.load %arg10[%swap3A_551, %swap3A_552] : memref<64x128xf32, #tpu.memory_space<vmem>>, vector<1x128xf32>
          tpu.vector_store %arg10[%swap3A_551, %swap3A_552], %max3A_550 {strides = array<i32>} : memref<64x128xf32, #tpu.memory_space<vmem>>, vector<1x128xf32>,
        } else {
        }
        %mul3A_352 = arith.constant 64 : i32
        %mul3A_353 = arith.muli %select_n3A_292, %mul3A_352 : i32
        %add3A_354 = arith.constant 24 : i32
        %add3A_355 = arith.addi %mul3A_353, %add3A_354 : i32
        %get3A_356 = arith.index_cast %add3A_355 : i32 to index
        %get3A_357 = memref.load %arg2[%get3A_356] : memref<10000xi32, #tpu.memory_space<smem>>
        %add3A_358 = arith.constant 7 : i32
        %add3A_359 = arith.addi %add3A_355, %add3A_358 : i32
        %get3A_360 = arith.index_cast %add3A_359 : i32 to index
        %get3A_361 = memref.load %arg2[%get3A_360] : memref<10000xi32, #tpu.memory_space<smem>>
        %eq3A_362 = arith.cmpi eq, %get3A_357, %get3A_361 : i32
        %convert_element_type3A_363 = arith.extui %eq3A_362 : i1 to i32
        %cond3A_364 = arith.constant 0 : i32
        %cond3A_365 = arith.cmpi ne, %convert_element_type3A_363, %cond3A_364 : i32
        scf.if %cond3A_365 {
          %get3A_442 = arith.index_cast %get3A_357 : i32 to index
          %get3A_443 = arith.constant 0 : index
          %get3A_444 = vector.load %arg10[%get3A_442, %get3A_443] : memref<64x128xf32, #tpu.memory_space<vmem>>, vector<1x128xf32>
          %mul3A_445 = arith.constant 8 : i32
          %mul3A_446 = arith.muli %select_n3A_292, %mul3A_445 : i32
          %add3A_447 = arith.constant 3 : i32
          %add3A_448 = arith.addi %mul3A_446, %add3A_447 : i32
          %get3A_449 = arith.index_cast %add3A_448 : i32 to index
          %get3A_450 = arith.constant 0 : index
          %get3A_451 = vector.load %arg11[%get3A_449, %get3A_450] : memref<1250x128xf32, #tpu.memory_space<vmem>>, vector<1x128xf32>
          %max3A_452 = arith.maximumf %get3A_444, %get3A_451 : vector<1x128xf32>
          %swap3A_453 = arith.index_cast %get3A_357 : i32 to index
          %swap3A_454 = arith.constant 0 : index
          %swap3A_455 = vector.load %arg10[%swap3A_453, %swap3A_454] : memref<64x128xf32, #tpu.memory_space<vmem>>, vector<1x128xf32>
          tpu.vector_store %arg10[%swap3A_453, %swap3A_454], %max3A_452 {strides = array<i32>} : memref<64x128xf32, #tpu.memory_space<vmem>>, vector<1x128xf32>,
        } else {
        }
        %ne3A_366 = arith.cmpi ne, %get3A_357, %get3A_361 : i32
        %convert_element_type3A_367 = arith.extui %ne3A_366 : i1 to i32
        %cond3A_368 = arith.constant 0 : i32
        %cond3A_369 = arith.cmpi ne, %convert_element_type3A_367, %cond3A_368 : i32
        scf.if %cond3A_369 {
          %add3A_442 = arith.constant 0 : i32
          %add3A_443 = arith.addi %add3A_355, %add3A_442 : i32
          %get3A_444 = arith.index_cast %add3A_443 : i32 to index
          %get3A_445 = memref.load %arg2[%get3A_444] : memref<10000xi32, #tpu.memory_space<smem>>
          %get3A_446 = arith.index_cast %get3A_445 : i32 to index
          %get3A_447 = arith.constant 0 : index
          %get3A_448 = vector.load %arg10[%get3A_446, %get3A_447] : memref<64x128xf32, #tpu.memory_space<vmem>>, vector<1x128xf32>
          %get3A_449 = arith.index_cast %add3A_443 : i32 to index
          %get3A_450 = arith.constant 0 : index
          %get3A_451 = vector.load %arg7[%get3A_449, %get3A_450] : memref<10000x128xf32, #tpu.memory_space<vmem>>, vector<1x128xf32>
          %max3A_452 = arith.maximumf %get3A_448, %get3A_451 : vector<1x128xf32>
          %swap3A_453 = arith.index_cast %get3A_445 : i32 to index
          %swap3A_454 = arith.constant 0 : index
          %swap3A_455 = vector.load %arg10[%swap3A_453, %swap3A_454] : memref<64x128xf32, #tpu.memory_space<vmem>>, vector<1x128xf32>
          tpu.vector_store %arg10[%swap3A_453, %swap3A_454], %max3A_452 {strides = array<i32>} : memref<64x128xf32, #tpu.memory_space<vmem>>, vector<1x128xf32>,
          %add3A_456 = arith.constant 1 : i32
          %add3A_457 = arith.addi %add3A_355, %add3A_456 : i32
          %get3A_458 = arith.index_cast %add3A_457 : i32 to index
          %get3A_459 = memref.load %arg2[%get3A_458] : memref<10000xi32, #tpu.memory_space<smem>>
          %get3A_460 = arith.index_cast %get3A_459 : i32 to index
          %get3A_461 = arith.constant 0 : index
          %get3A_462 = vector.load %arg10[%get3A_460, %get3A_461] : memref<64x128xf32, #tpu.memory_space<vmem>>, vector<1x128xf32>
          %get3A_463 = arith.index_cast %add3A_457 : i32 to index
          %get3A_464 = arith.constant 0 : index
          %get3A_465 = vector.load %arg7[%get3A_463, %get3A_464] : memref<10000x128xf32, #tpu.memory_space<vmem>>, vector<1x128xf32>
          %max3A_466 = arith.maximumf %get3A_462, %get3A_465 : vector<1x128xf32>
          %swap3A_467 = arith.index_cast %get3A_459 : i32 to index
          %swap3A_468 = arith.constant 0 : index
          %swap3A_469 = vector.load %arg10[%swap3A_467, %swap3A_468] : memref<64x128xf32, #tpu.memory_space<vmem>>, vector<1x128xf32>
          tpu.vector_store %arg10[%swap3A_467, %swap3A_468], %max3A_466 {strides = array<i32>} : memref<64x128xf32, #tpu.memory_space<vmem>>, vector<1x128xf32>,
          %add3A_470 = arith.constant 2 : i32
          %add3A_471 = arith.addi %add3A_355, %add3A_470 : i32
          %get3A_472 = arith.index_cast %add3A_471 : i32 to index
          %get3A_473 = memref.load %arg2[%get3A_472] : memref<10000xi32, #tpu.memory_space<smem>>
          %get3A_474 = arith.index_cast %get3A_473 : i32 to index
          %get3A_475 = arith.constant 0 : index
          %get3A_476 = vector.load %arg10[%get3A_474, %get3A_475] : memref<64x128xf32, #tpu.memory_space<vmem>>, vector<1x128xf32>
          %get3A_477 = arith.index_cast %add3A_471 : i32 to index
          %get3A_478 = arith.constant 0 : index
          %get3A_479 = vector.load %arg7[%get3A_477, %get3A_478] : memref<10000x128xf32, #tpu.memory_space<vmem>>, vector<1x128xf32>
          %max3A_480 = arith.maximumf %get3A_476, %get3A_479 : vector<1x128xf32>
          %swap3A_481 = arith.index_cast %get3A_473 : i32 to index
          %swap3A_482 = arith.constant 0 : index
          %swap3A_483 = vector.load %arg10[%swap3A_481, %swap3A_482] : memref<64x128xf32, #tpu.memory_space<vmem>>, vector<1x128xf32>
          tpu.vector_store %arg10[%swap3A_481, %swap3A_482], %max3A_480 {strides = array<i32>} : memref<64x128xf32, #tpu.memory_space<vmem>>, vector<1x128xf32>,
          %add3A_484 = arith.constant 3 : i32
          %add3A_485 = arith.addi %add3A_355, %add3A_484 : i32
          %get3A_486 = arith.index_cast %add3A_485 : i32 to index
          %get3A_487 = memref.load %arg2[%get3A_486] : memref<10000xi32, #tpu.memory_space<smem>>
          %get3A_488 = arith.index_cast %get3A_487 : i32 to index
          %get3A_489 = arith.constant 0 : index
          %get3A_490 = vector.load %arg10[%get3A_488, %get3A_489] : memref<64x128xf32, #tpu.memory_space<vmem>>, vector<1x128xf32>
          %get3A_491 = arith.index_cast %add3A_485 : i32 to index
          %get3A_492 = arith.constant 0 : index
          %get3A_493 = vector.load %arg7[%get3A_491, %get3A_492] : memref<10000x128xf32, #tpu.memory_space<vmem>>, vector<1x128xf32>
          %max3A_494 = arith.maximumf %get3A_490, %get3A_493 : vector<1x128xf32>
          %swap3A_495 = arith.index_cast %get3A_487 : i32 to index
          %swap3A_496 = arith.constant 0 : index
          %swap3A_497 = vector.load %arg10[%swap3A_495, %swap3A_496] : memref<64x128xf32, #tpu.memory_space<vmem>>, vector<1x128xf32>
          tpu.vector_store %arg10[%swap3A_495, %swap3A_496], %max3A_494 {strides = array<i32>} : memref<64x128xf32, #tpu.memory_space<vmem>>, vector<1x128xf32>,
          %add3A_498 = arith.constant 4 : i32
          %add3A_499 = arith.addi %add3A_355, %add3A_498 : i32
          %get3A_500 = arith.index_cast %add3A_499 : i32 to index
          %get3A_501 = memref.load %arg2[%get3A_500] : memref<10000xi32, #tpu.memory_space<smem>>
          %get3A_502 = arith.index_cast %get3A_501 : i32 to index
          %get3A_503 = arith.constant 0 : index
          %get3A_504 = vector.load %arg10[%get3A_502, %get3A_503] : memref<64x128xf32, #tpu.memory_space<vmem>>, vector<1x128xf32>
          %get3A_505 = arith.index_cast %add3A_499 : i32 to index
          %get3A_506 = arith.constant 0 : index
          %get3A_507 = vector.load %arg7[%get3A_505, %get3A_506] : memref<10000x128xf32, #tpu.memory_space<vmem>>, vector<1x128xf32>
          %max3A_508 = arith.maximumf %get3A_504, %get3A_507 : vector<1x128xf32>
          %swap3A_509 = arith.index_cast %get3A_501 : i32 to index
          %swap3A_510 = arith.constant 0 : index
          %swap3A_511 = vector.load %arg10[%swap3A_509, %swap3A_510] : memref<64x128xf32, #tpu.memory_space<vmem>>, vector<1x128xf32>
          tpu.vector_store %arg10[%swap3A_509, %swap3A_510], %max3A_508 {strides = array<i32>} : memref<64x128xf32, #tpu.memory_space<vmem>>, vector<1x128xf32>,
          %add3A_512 = arith.constant 5 : i32
          %add3A_513 = arith.addi %add3A_355, %add3A_512 : i32
          %get3A_514 = arith.index_cast %add3A_513 : i32 to index
          %get3A_515 = memref.load %arg2[%get3A_514] : memref<10000xi32, #tpu.memory_space<smem>>
          %get3A_516 = arith.index_cast %get3A_515 : i32 to index
          %get3A_517 = arith.constant 0 : index
          %get3A_518 = vector.load %arg10[%get3A_516, %get3A_517] : memref<64x128xf32, #tpu.memory_space<vmem>>, vector<1x128xf32>
          %get3A_519 = arith.index_cast %add3A_513 : i32 to index
          %get3A_520 = arith.constant 0 : index
          %get3A_521 = vector.load %arg7[%get3A_519, %get3A_520] : memref<10000x128xf32, #tpu.memory_space<vmem>>, vector<1x128xf32>
          %max3A_522 = arith.maximumf %get3A_518, %get3A_521 : vector<1x128xf32>
          %swap3A_523 = arith.index_cast %get3A_515 : i32 to index
          %swap3A_524 = arith.constant 0 : index
          %swap3A_525 = vector.load %arg10[%swap3A_523, %swap3A_524] : memref<64x128xf32, #tpu.memory_space<vmem>>, vector<1x128xf32>
          tpu.vector_store %arg10[%swap3A_523, %swap3A_524], %max3A_522 {strides = array<i32>} : memref<64x128xf32, #tpu.memory_space<vmem>>, vector<1x128xf32>,
          %add3A_526 = arith.constant 6 : i32
          %add3A_527 = arith.addi %add3A_355, %add3A_526 : i32
          %get3A_528 = arith.index_cast %add3A_527 : i32 to index
          %get3A_529 = memref.load %arg2[%get3A_528] : memref<10000xi32, #tpu.memory_space<smem>>
          %get3A_530 = arith.index_cast %get3A_529 : i32 to index
          %get3A_531 = arith.constant 0 : index
          %get3A_532 = vector.load %arg10[%get3A_530, %get3A_531] : memref<64x128xf32, #tpu.memory_space<vmem>>, vector<1x128xf32>
          %get3A_533 = arith.index_cast %add3A_527 : i32 to index
          %get3A_534 = arith.constant 0 : index
          %get3A_535 = vector.load %arg7[%get3A_533, %get3A_534] : memref<10000x128xf32, #tpu.memory_space<vmem>>, vector<1x128xf32>
          %max3A_536 = arith.maximumf %get3A_532, %get3A_535 : vector<1x128xf32>
          %swap3A_537 = arith.index_cast %get3A_529 : i32 to index
          %swap3A_538 = arith.constant 0 : index
          %swap3A_539 = vector.load %arg10[%swap3A_537, %swap3A_538] : memref<64x128xf32, #tpu.memory_space<vmem>>, vector<1x128xf32>
          tpu.vector_store %arg10[%swap3A_537, %swap3A_538], %max3A_536 {strides = array<i32>} : memref<64x128xf32, #tpu.memory_space<vmem>>, vector<1x128xf32>,
          %add3A_540 = arith.constant 7 : i32
          %add3A_541 = arith.addi %add3A_355, %add3A_540 : i32
          %get3A_542 = arith.index_cast %add3A_541 : i32 to index
          %get3A_543 = memref.load %arg2[%get3A_542] : memref<10000xi32, #tpu.memory_space<smem>>
          %get3A_544 = arith.index_cast %get3A_543 : i32 to index
          %get3A_545 = arith.constant 0 : index
          %get3A_546 = vector.load %arg10[%get3A_544, %get3A_545] : memref<64x128xf32, #tpu.memory_space<vmem>>, vector<1x128xf32>
          %get3A_547 = arith.index_cast %add3A_541 : i32 to index
          %get3A_548 = arith.constant 0 : index
          %get3A_549 = vector.load %arg7[%get3A_547, %get3A_548] : memref<10000x128xf32, #tpu.memory_space<vmem>>, vector<1x128xf32>
          %max3A_550 = arith.maximumf %get3A_546, %get3A_549 : vector<1x128xf32>
          %swap3A_551 = arith.index_cast %get3A_543 : i32 to index
          %swap3A_552 = arith.constant 0 : index
          %swap3A_553 = vector.load %arg10[%swap3A_551, %swap3A_552] : memref<64x128xf32, #tpu.memory_space<vmem>>, vector<1x128xf32>
          tpu.vector_store %arg10[%swap3A_551, %swap3A_552], %max3A_550 {strides = array<i32>} : memref<64x128xf32, #tpu.memory_space<vmem>>, vector<1x128xf32>,
        } else {
        }
        %mul3A_370 = arith.constant 64 : i32
        %mul3A_371 = arith.muli %select_n3A_292, %mul3A_370 : i32
        %add3A_372 = arith.constant 32 : i32
        %add3A_373 = arith.addi %mul3A_371, %add3A_372 : i32
        %get3A_374 = arith.index_cast %add3A_373 : i32 to index
        %get3A_375 = memref.load %arg2[%get3A_374] : memref<10000xi32, #tpu.memory_space<smem>>
        %add3A_376 = arith.constant 7 : i32
        %add3A_377 = arith.addi %add3A_373, %add3A_376 : i32
        %get3A_378 = arith.index_cast %add3A_377 : i32 to index
        %get3A_379 = memref.load %arg2[%get3A_378] : memref<10000xi32, #tpu.memory_space<smem>>
        %eq3A_380 = arith.cmpi eq, %get3A_375, %get3A_379 : i32
        %convert_element_type3A_381 = arith.extui %eq3A_380 : i1 to i32
        %cond3A_382 = arith.constant 0 : i32
        %cond3A_383 = arith.cmpi ne, %convert_element_type3A_381, %cond3A_382 : i32
        scf.if %cond3A_383 {
          %get3A_442 = arith.index_cast %get3A_375 : i32 to index
          %get3A_443 = arith.constant 0 : index
          %get3A_444 = vector.load %arg10[%get3A_442, %get3A_443] : memref<64x128xf32, #tpu.memory_space<vmem>>, vector<1x128xf32>
          %mul3A_445 = arith.constant 8 : i32
          %mul3A_446 = arith.muli %select_n3A_292, %mul3A_445 : i32
          %add3A_447 = arith.constant 4 : i32
          %add3A_448 = arith.addi %mul3A_446, %add3A_447 : i32
          %get3A_449 = arith.index_cast %add3A_448 : i32 to index
          %get3A_450 = arith.constant 0 : index
          %get3A_451 = vector.load %arg11[%get3A_449, %get3A_450] : memref<1250x128xf32, #tpu.memory_space<vmem>>, vector<1x128xf32>
          %max3A_452 = arith.maximumf %get3A_444, %get3A_451 : vector<1x128xf32>
          %swap3A_453 = arith.index_cast %get3A_375 : i32 to index
          %swap3A_454 = arith.constant 0 : index
          %swap3A_455 = vector.load %arg10[%swap3A_453, %swap3A_454] : memref<64x128xf32, #tpu.memory_space<vmem>>, vector<1x128xf32>
          tpu.vector_store %arg10[%swap3A_453, %swap3A_454], %max3A_452 {strides = array<i32>} : memref<64x128xf32, #tpu.memory_space<vmem>>, vector<1x128xf32>,
        } else {
        }
        %ne3A_384 = arith.cmpi ne, %get3A_375, %get3A_379 : i32
        %convert_element_type3A_385 = arith.extui %ne3A_384 : i1 to i32
        %cond3A_386 = arith.constant 0 : i32
        %cond3A_387 = arith.cmpi ne, %convert_element_type3A_385, %cond3A_386 : i32
        scf.if %cond3A_387 {
          %add3A_442 = arith.constant 0 : i32
          %add3A_443 = arith.addi %add3A_373, %add3A_442 : i32
          %get3A_444 = arith.index_cast %add3A_443 : i32 to index
          %get3A_445 = memref.load %arg2[%get3A_444] : memref<10000xi32, #tpu.memory_space<smem>>
          %get3A_446 = arith.index_cast %get3A_445 : i32 to index
          %get3A_447 = arith.constant 0 : index
          %get3A_448 = vector.load %arg10[%get3A_446, %get3A_447] : memref<64x128xf32, #tpu.memory_space<vmem>>, vector<1x128xf32>
          %get3A_449 = arith.index_cast %add3A_443 : i32 to index
          %get3A_450 = arith.constant 0 : index
          %get3A_451 = vector.load %arg7[%get3A_449, %get3A_450] : memref<10000x128xf32, #tpu.memory_space<vmem>>, vector<1x128xf32>
          %max3A_452 = arith.maximumf %get3A_448, %get3A_451 : vector<1x128xf32>
          %swap3A_453 = arith.index_cast %get3A_445 : i32 to index
          %swap3A_454 = arith.constant 0 : index
          %swap3A_455 = vector.load %arg10[%swap3A_453, %swap3A_454] : memref<64x128xf32, #tpu.memory_space<vmem>>, vector<1x128xf32>
          tpu.vector_store %arg10[%swap3A_453, %swap3A_454], %max3A_452 {strides = array<i32>} : memref<64x128xf32, #tpu.memory_space<vmem>>, vector<1x128xf32>,
          %add3A_456 = arith.constant 1 : i32
          %add3A_457 = arith.addi %add3A_373, %add3A_456 : i32
          %get3A_458 = arith.index_cast %add3A_457 : i32 to index
          %get3A_459 = memref.load %arg2[%get3A_458] : memref<10000xi32, #tpu.memory_space<smem>>
          %get3A_460 = arith.index_cast %get3A_459 : i32 to index
          %get3A_461 = arith.constant 0 : index
          %get3A_462 = vector.load %arg10[%get3A_460, %get3A_461] : memref<64x128xf32, #tpu.memory_space<vmem>>, vector<1x128xf32>
          %get3A_463 = arith.index_cast %add3A_457 : i32 to index
          %get3A_464 = arith.constant 0 : index
          %get3A_465 = vector.load %arg7[%get3A_463, %get3A_464] : memref<10000x128xf32, #tpu.memory_space<vmem>>, vector<1x128xf32>
          %max3A_466 = arith.maximumf %get3A_462, %get3A_465 : vector<1x128xf32>
          %swap3A_467 = arith.index_cast %get3A_459 : i32 to index
          %swap3A_468 = arith.constant 0 : index
          %swap3A_469 = vector.load %arg10[%swap3A_467, %swap3A_468] : memref<64x128xf32, #tpu.memory_space<vmem>>, vector<1x128xf32>
          tpu.vector_store %arg10[%swap3A_467, %swap3A_468], %max3A_466 {strides = array<i32>} : memref<64x128xf32, #tpu.memory_space<vmem>>, vector<1x128xf32>,
          %add3A_470 = arith.constant 2 : i32
          %add3A_471 = arith.addi %add3A_373, %add3A_470 : i32
          %get3A_472 = arith.index_cast %add3A_471 : i32 to index
          %get3A_473 = memref.load %arg2[%get3A_472] : memref<10000xi32, #tpu.memory_space<smem>>
          %get3A_474 = arith.index_cast %get3A_473 : i32 to index
          %get3A_475 = arith.constant 0 : index
          %get3A_476 = vector.load %arg10[%get3A_474, %get3A_475] : memref<64x128xf32, #tpu.memory_space<vmem>>, vector<1x128xf32>
          %get3A_477 = arith.index_cast %add3A_471 : i32 to index
          %get3A_478 = arith.constant 0 : index
          %get3A_479 = vector.load %arg7[%get3A_477, %get3A_478] : memref<10000x128xf32, #tpu.memory_space<vmem>>, vector<1x128xf32>
          %max3A_480 = arith.maximumf %get3A_476, %get3A_479 : vector<1x128xf32>
          %swap3A_481 = arith.index_cast %get3A_473 : i32 to index
          %swap3A_482 = arith.constant 0 : index
          %swap3A_483 = vector.load %arg10[%swap3A_481, %swap3A_482] : memref<64x128xf32, #tpu.memory_space<vmem>>, vector<1x128xf32>
          tpu.vector_store %arg10[%swap3A_481, %swap3A_482], %max3A_480 {strides = array<i32>} : memref<64x128xf32, #tpu.memory_space<vmem>>, vector<1x128xf32>,
          %add3A_484 = arith.constant 3 : i32
          %add3A_485 = arith.addi %add3A_373, %add3A_484 : i32
          %get3A_486 = arith.index_cast %add3A_485 : i32 to index
          %get3A_487 = memref.load %arg2[%get3A_486] : memref<10000xi32, #tpu.memory_space<smem>>
          %get3A_488 = arith.index_cast %get3A_487 : i32 to index
          %get3A_489 = arith.constant 0 : index
          %get3A_490 = vector.load %arg10[%get3A_488, %get3A_489] : memref<64x128xf32, #tpu.memory_space<vmem>>, vector<1x128xf32>
          %get3A_491 = arith.index_cast %add3A_485 : i32 to index
          %get3A_492 = arith.constant 0 : index
          %get3A_493 = vector.load %arg7[%get3A_491, %get3A_492] : memref<10000x128xf32, #tpu.memory_space<vmem>>, vector<1x128xf32>
          %max3A_494 = arith.maximumf %get3A_490, %get3A_493 : vector<1x128xf32>
          %swap3A_495 = arith.index_cast %get3A_487 : i32 to index
          %swap3A_496 = arith.constant 0 : index
          %swap3A_497 = vector.load %arg10[%swap3A_495, %swap3A_496] : memref<64x128xf32, #tpu.memory_space<vmem>>, vector<1x128xf32>
          tpu.vector_store %arg10[%swap3A_495, %swap3A_496], %max3A_494 {strides = array<i32>} : memref<64x128xf32, #tpu.memory_space<vmem>>, vector<1x128xf32>,
          %add3A_498 = arith.constant 4 : i32
          %add3A_499 = arith.addi %add3A_373, %add3A_498 : i32
          %get3A_500 = arith.index_cast %add3A_499 : i32 to index
          %get3A_501 = memref.load %arg2[%get3A_500] : memref<10000xi32, #tpu.memory_space<smem>>
          %get3A_502 = arith.index_cast %get3A_501 : i32 to index
          %get3A_503 = arith.constant 0 : index
          %get3A_504 = vector.load %arg10[%get3A_502, %get3A_503] : memref<64x128xf32, #tpu.memory_space<vmem>>, vector<1x128xf32>
          %get3A_505 = arith.index_cast %add3A_499 : i32 to index
          %get3A_506 = arith.constant 0 : index
          %get3A_507 = vector.load %arg7[%get3A_505, %get3A_506] : memref<10000x128xf32, #tpu.memory_space<vmem>>, vector<1x128xf32>
          %max3A_508 = arith.maximumf %get3A_504, %get3A_507 : vector<1x128xf32>
          %swap3A_509 = arith.index_cast %get3A_501 : i32 to index
          %swap3A_510 = arith.constant 0 : index
          %swap3A_511 = vector.load %arg10[%swap3A_509, %swap3A_510] : memref<64x128xf32, #tpu.memory_space<vmem>>, vector<1x128xf32>
          tpu.vector_store %arg10[%swap3A_509, %swap3A_510], %max3A_508 {strides = array<i32>} : memref<64x128xf32, #tpu.memory_space<vmem>>, vector<1x128xf32>,
          %add3A_512 = arith.constant 5 : i32
          %add3A_513 = arith.addi %add3A_373, %add3A_512 : i32
          %get3A_514 = arith.index_cast %add3A_513 : i32 to index
          %get3A_515 = memref.load %arg2[%get3A_514] : memref<10000xi32, #tpu.memory_space<smem>>
          %get3A_516 = arith.index_cast %get3A_515 : i32 to index
          %get3A_517 = arith.constant 0 : index
          %get3A_518 = vector.load %arg10[%get3A_516, %get3A_517] : memref<64x128xf32, #tpu.memory_space<vmem>>, vector<1x128xf32>
          %get3A_519 = arith.index_cast %add3A_513 : i32 to index
          %get3A_520 = arith.constant 0 : index
          %get3A_521 = vector.load %arg7[%get3A_519, %get3A_520] : memref<10000x128xf32, #tpu.memory_space<vmem>>, vector<1x128xf32>
          %max3A_522 = arith.maximumf %get3A_518, %get3A_521 : vector<1x128xf32>
          %swap3A_523 = arith.index_cast %get3A_515 : i32 to index
          %swap3A_524 = arith.constant 0 : index
          %swap3A_525 = vector.load %arg10[%swap3A_523, %swap3A_524] : memref<64x128xf32, #tpu.memory_space<vmem>>, vector<1x128xf32>
          tpu.vector_store %arg10[%swap3A_523, %swap3A_524], %max3A_522 {strides = array<i32>} : memref<64x128xf32, #tpu.memory_space<vmem>>, vector<1x128xf32>,
          %add3A_526 = arith.constant 6 : i32
          %add3A_527 = arith.addi %add3A_373, %add3A_526 : i32
          %get3A_528 = arith.index_cast %add3A_527 : i32 to index
          %get3A_529 = memref.load %arg2[%get3A_528] : memref<10000xi32, #tpu.memory_space<smem>>
          %get3A_530 = arith.index_cast %get3A_529 : i32 to index
          %get3A_531 = arith.constant 0 : index
          %get3A_532 = vector.load %arg10[%get3A_530, %get3A_531] : memref<64x128xf32, #tpu.memory_space<vmem>>, vector<1x128xf32>
          %get3A_533 = arith.index_cast %add3A_527 : i32 to index
          %get3A_534 = arith.constant 0 : index
          %get3A_535 = vector.load %arg7[%get3A_533, %get3A_534] : memref<10000x128xf32, #tpu.memory_space<vmem>>, vector<1x128xf32>
          %max3A_536 = arith.maximumf %get3A_532, %get3A_535 : vector<1x128xf32>
          %swap3A_537 = arith.index_cast %get3A_529 : i32 to index
          %swap3A_538 = arith.constant 0 : index
          %swap3A_539 = vector.load %arg10[%swap3A_537, %swap3A_538] : memref<64x128xf32, #tpu.memory_space<vmem>>, vector<1x128xf32>
          tpu.vector_store %arg10[%swap3A_537, %swap3A_538], %max3A_536 {strides = array<i32>} : memref<64x128xf32, #tpu.memory_space<vmem>>, vector<1x128xf32>,
          %add3A_540 = arith.constant 7 : i32
          %add3A_541 = arith.addi %add3A_373, %add3A_540 : i32
          %get3A_542 = arith.index_cast %add3A_541 : i32 to index
          %get3A_543 = memref.load %arg2[%get3A_542] : memref<10000xi32, #tpu.memory_space<smem>>
          %get3A_544 = arith.index_cast %get3A_543 : i32 to index
          %get3A_545 = arith.constant 0 : index
          %get3A_546 = vector.load %arg10[%get3A_544, %get3A_545] : memref<64x128xf32, #tpu.memory_space<vmem>>, vector<1x128xf32>
          %get3A_547 = arith.index_cast %add3A_541 : i32 to index
          %get3A_548 = arith.constant 0 : index
          %get3A_549 = vector.load %arg7[%get3A_547, %get3A_548] : memref<10000x128xf32, #tpu.memory_space<vmem>>, vector<1x128xf32>
          %max3A_550 = arith.maximumf %get3A_546, %get3A_549 : vector<1x128xf32>
          %swap3A_551 = arith.index_cast %get3A_543 : i32 to index
          %swap3A_552 = arith.constant 0 : index
          %swap3A_553 = vector.load %arg10[%swap3A_551, %swap3A_552] : memref<64x128xf32, #tpu.memory_space<vmem>>, vector<1x128xf32>
          tpu.vector_store %arg10[%swap3A_551, %swap3A_552], %max3A_550 {strides = array<i32>} : memref<64x128xf32, #tpu.memory_space<vmem>>, vector<1x128xf32>,
        } else {
        }
        %mul3A_388 = arith.constant 64 : i32
        %mul3A_389 = arith.muli %select_n3A_292, %mul3A_388 : i32
        %add3A_390 = arith.constant 40 : i32
        %add3A_391 = arith.addi %mul3A_389, %add3A_390 : i32
        %get3A_392 = arith.index_cast %add3A_391 : i32 to index
        %get3A_393 = memref.load %arg2[%get3A_392] : memref<10000xi32, #tpu.memory_space<smem>>
        %add3A_394 = arith.constant 7 : i32
        %add3A_395 = arith.addi %add3A_391, %add3A_394 : i32
        %get3A_396 = arith.index_cast %add3A_395 : i32 to index
        %get3A_397 = memref.load %arg2[%get3A_396] : memref<10000xi32, #tpu.memory_space<smem>>
        %eq3A_398 = arith.cmpi eq, %get3A_393, %get3A_397 : i32
        %convert_element_type3A_399 = arith.extui %eq3A_398 : i1 to i32
        %cond3A_400 = arith.constant 0 : i32
        %cond3A_401 = arith.cmpi ne, %convert_element_type3A_399, %cond3A_400 : i32
        scf.if %cond3A_401 {
          %get3A_442 = arith.index_cast %get3A_393 : i32 to index
          %get3A_443 = arith.constant 0 : index
          %get3A_444 = vector.load %arg10[%get3A_442, %get3A_443] : memref<64x128xf32, #tpu.memory_space<vmem>>, vector<1x128xf32>
          %mul3A_445 = arith.constant 8 : i32
          %mul3A_446 = arith.muli %select_n3A_292, %mul3A_445 : i32
          %add3A_447 = arith.constant 5 : i32
          %add3A_448 = arith.addi %mul3A_446, %add3A_447 : i32
          %get3A_449 = arith.index_cast %add3A_448 : i32 to index
          %get3A_450 = arith.constant 0 : index
          %get3A_451 = vector.load %arg11[%get3A_449, %get3A_450] : memref<1250x128xf32, #tpu.memory_space<vmem>>, vector<1x128xf32>
          %max3A_452 = arith.maximumf %get3A_444, %get3A_451 : vector<1x128xf32>
          %swap3A_453 = arith.index_cast %get3A_393 : i32 to index
          %swap3A_454 = arith.constant 0 : index
          %swap3A_455 = vector.load %arg10[%swap3A_453, %swap3A_454] : memref<64x128xf32, #tpu.memory_space<vmem>>, vector<1x128xf32>
          tpu.vector_store %arg10[%swap3A_453, %swap3A_454], %max3A_452 {strides = array<i32>} : memref<64x128xf32, #tpu.memory_space<vmem>>, vector<1x128xf32>,
        } else {
        }
        %ne3A_402 = arith.cmpi ne, %get3A_393, %get3A_397 : i32
        %convert_element_type3A_403 = arith.extui %ne3A_402 : i1 to i32
        %cond3A_404 = arith.constant 0 : i32
        %cond3A_405 = arith.cmpi ne, %convert_element_type3A_403, %cond3A_404 : i32
        scf.if %cond3A_405 {
          %add3A_442 = arith.constant 0 : i32
          %add3A_443 = arith.addi %add3A_391, %add3A_442 : i32
          %get3A_444 = arith.index_cast %add3A_443 : i32 to index
          %get3A_445 = memref.load %arg2[%get3A_444] : memref<10000xi32, #tpu.memory_space<smem>>
          %get3A_446 = arith.index_cast %get3A_445 : i32 to index
          %get3A_447 = arith.constant 0 : index
          %get3A_448 = vector.load %arg10[%get3A_446, %get3A_447] : memref<64x128xf32, #tpu.memory_space<vmem>>, vector<1x128xf32>
          %get3A_449 = arith.index_cast %add3A_443 : i32 to index
          %get3A_450 = arith.constant 0 : index
          %get3A_451 = vector.load %arg7[%get3A_449, %get3A_450] : memref<10000x128xf32, #tpu.memory_space<vmem>>, vector<1x128xf32>
          %max3A_452 = arith.maximumf %get3A_448, %get3A_451 : vector<1x128xf32>
          %swap3A_453 = arith.index_cast %get3A_445 : i32 to index
          %swap3A_454 = arith.constant 0 : index
          %swap3A_455 = vector.load %arg10[%swap3A_453, %swap3A_454] : memref<64x128xf32, #tpu.memory_space<vmem>>, vector<1x128xf32>
          tpu.vector_store %arg10[%swap3A_453, %swap3A_454], %max3A_452 {strides = array<i32>} : memref<64x128xf32, #tpu.memory_space<vmem>>, vector<1x128xf32>,
          %add3A_456 = arith.constant 1 : i32
          %add3A_457 = arith.addi %add3A_391, %add3A_456 : i32
          %get3A_458 = arith.index_cast %add3A_457 : i32 to index
          %get3A_459 = memref.load %arg2[%get3A_458] : memref<10000xi32, #tpu.memory_space<smem>>
          %get3A_460 = arith.index_cast %get3A_459 : i32 to index
          %get3A_461 = arith.constant 0 : index
          %get3A_462 = vector.load %arg10[%get3A_460, %get3A_461] : memref<64x128xf32, #tpu.memory_space<vmem>>, vector<1x128xf32>
          %get3A_463 = arith.index_cast %add3A_457 : i32 to index
          %get3A_464 = arith.constant 0 : index
          %get3A_465 = vector.load %arg7[%get3A_463, %get3A_464] : memref<10000x128xf32, #tpu.memory_space<vmem>>, vector<1x128xf32>
          %max3A_466 = arith.maximumf %get3A_462, %get3A_465 : vector<1x128xf32>
          %swap3A_467 = arith.index_cast %get3A_459 : i32 to index
          %swap3A_468 = arith.constant 0 : index
          %swap3A_469 = vector.load %arg10[%swap3A_467, %swap3A_468] : memref<64x128xf32, #tpu.memory_space<vmem>>, vector<1x128xf32>
          tpu.vector_store %arg10[%swap3A_467, %swap3A_468], %max3A_466 {strides = array<i32>} : memref<64x128xf32, #tpu.memory_space<vmem>>, vector<1x128xf32>,
          %add3A_470 = arith.constant 2 : i32
          %add3A_471 = arith.addi %add3A_391, %add3A_470 : i32
          %get3A_472 = arith.index_cast %add3A_471 : i32 to index
          %get3A_473 = memref.load %arg2[%get3A_472] : memref<10000xi32, #tpu.memory_space<smem>>
          %get3A_474 = arith.index_cast %get3A_473 : i32 to index
          %get3A_475 = arith.constant 0 : index
          %get3A_476 = vector.load %arg10[%get3A_474, %get3A_475] : memref<64x128xf32, #tpu.memory_space<vmem>>, vector<1x128xf32>
          %get3A_477 = arith.index_cast %add3A_471 : i32 to index
          %get3A_478 = arith.constant 0 : index
          %get3A_479 = vector.load %arg7[%get3A_477, %get3A_478] : memref<10000x128xf32, #tpu.memory_space<vmem>>, vector<1x128xf32>
          %max3A_480 = arith.maximumf %get3A_476, %get3A_479 : vector<1x128xf32>
          %swap3A_481 = arith.index_cast %get3A_473 : i32 to index
          %swap3A_482 = arith.constant 0 : index
          %swap3A_483 = vector.load %arg10[%swap3A_481, %swap3A_482] : memref<64x128xf32, #tpu.memory_space<vmem>>, vector<1x128xf32>
          tpu.vector_store %arg10[%swap3A_481, %swap3A_482], %max3A_480 {strides = array<i32>} : memref<64x128xf32, #tpu.memory_space<vmem>>, vector<1x128xf32>,
          %add3A_484 = arith.constant 3 : i32
          %add3A_485 = arith.addi %add3A_391, %add3A_484 : i32
          %get3A_486 = arith.index_cast %add3A_485 : i32 to index
          %get3A_487 = memref.load %arg2[%get3A_486] : memref<10000xi32, #tpu.memory_space<smem>>
          %get3A_488 = arith.index_cast %get3A_487 : i32 to index
          %get3A_489 = arith.constant 0 : index
          %get3A_490 = vector.load %arg10[%get3A_488, %get3A_489] : memref<64x128xf32, #tpu.memory_space<vmem>>, vector<1x128xf32>
          %get3A_491 = arith.index_cast %add3A_485 : i32 to index
          %get3A_492 = arith.constant 0 : index
          %get3A_493 = vector.load %arg7[%get3A_491, %get3A_492] : memref<10000x128xf32, #tpu.memory_space<vmem>>, vector<1x128xf32>
          %max3A_494 = arith.maximumf %get3A_490, %get3A_493 : vector<1x128xf32>
          %swap3A_495 = arith.index_cast %get3A_487 : i32 to index
          %swap3A_496 = arith.constant 0 : index
          %swap3A_497 = vector.load %arg10[%swap3A_495, %swap3A_496] : memref<64x128xf32, #tpu.memory_space<vmem>>, vector<1x128xf32>
          tpu.vector_store %arg10[%swap3A_495, %swap3A_496], %max3A_494 {strides = array<i32>} : memref<64x128xf32, #tpu.memory_space<vmem>>, vector<1x128xf32>,
          %add3A_498 = arith.constant 4 : i32
          %add3A_499 = arith.addi %add3A_391, %add3A_498 : i32
          %get3A_500 = arith.index_cast %add3A_499 : i32 to index
          %get3A_501 = memref.load %arg2[%get3A_500] : memref<10000xi32, #tpu.memory_space<smem>>
          %get3A_502 = arith.index_cast %get3A_501 : i32 to index
          %get3A_503 = arith.constant 0 : index
          %get3A_504 = vector.load %arg10[%get3A_502, %get3A_503] : memref<64x128xf32, #tpu.memory_space<vmem>>, vector<1x128xf32>
          %get3A_505 = arith.index_cast %add3A_499 : i32 to index
          %get3A_506 = arith.constant 0 : index
          %get3A_507 = vector.load %arg7[%get3A_505, %get3A_506] : memref<10000x128xf32, #tpu.memory_space<vmem>>, vector<1x128xf32>
          %max3A_508 = arith.maximumf %get3A_504, %get3A_507 : vector<1x128xf32>
          %swap3A_509 = arith.index_cast %get3A_501 : i32 to index
          %swap3A_510 = arith.constant 0 : index
          %swap3A_511 = vector.load %arg10[%swap3A_509, %swap3A_510] : memref<64x128xf32, #tpu.memory_space<vmem>>, vector<1x128xf32>
          tpu.vector_store %arg10[%swap3A_509, %swap3A_510], %max3A_508 {strides = array<i32>} : memref<64x128xf32, #tpu.memory_space<vmem>>, vector<1x128xf32>,
          %add3A_512 = arith.constant 5 : i32
          %add3A_513 = arith.addi %add3A_391, %add3A_512 : i32
          %get3A_514 = arith.index_cast %add3A_513 : i32 to index
          %get3A_515 = memref.load %arg2[%get3A_514] : memref<10000xi32, #tpu.memory_space<smem>>
          %get3A_516 = arith.index_cast %get3A_515 : i32 to index
          %get3A_517 = arith.constant 0 : index
          %get3A_518 = vector.load %arg10[%get3A_516, %get3A_517] : memref<64x128xf32, #tpu.memory_space<vmem>>, vector<1x128xf32>
          %get3A_519 = arith.index_cast %add3A_513 : i32 to index
          %get3A_520 = arith.constant 0 : index
          %get3A_521 = vector.load %arg7[%get3A_519, %get3A_520] : memref<10000x128xf32, #tpu.memory_space<vmem>>, vector<1x128xf32>
          %max3A_522 = arith.maximumf %get3A_518, %get3A_521 : vector<1x128xf32>
          %swap3A_523 = arith.index_cast %get3A_515 : i32 to index
          %swap3A_524 = arith.constant 0 : index
          %swap3A_525 = vector.load %arg10[%swap3A_523, %swap3A_524] : memref<64x128xf32, #tpu.memory_space<vmem>>, vector<1x128xf32>
          tpu.vector_store %arg10[%swap3A_523, %swap3A_524], %max3A_522 {strides = array<i32>} : memref<64x128xf32, #tpu.memory_space<vmem>>, vector<1x128xf32>,
          %add3A_526 = arith.constant 6 : i32
          %add3A_527 = arith.addi %add3A_391, %add3A_526 : i32
          %get3A_528 = arith.index_cast %add3A_527 : i32 to index
          %get3A_529 = memref.load %arg2[%get3A_528] : memref<10000xi32, #tpu.memory_space<smem>>
          %get3A_530 = arith.index_cast %get3A_529 : i32 to index
          %get3A_531 = arith.constant 0 : index
          %get3A_532 = vector.load %arg10[%get3A_530, %get3A_531] : memref<64x128xf32, #tpu.memory_space<vmem>>, vector<1x128xf32>
          %get3A_533 = arith.index_cast %add3A_527 : i32 to index
          %get3A_534 = arith.constant 0 : index
          %get3A_535 = vector.load %arg7[%get3A_533, %get3A_534] : memref<10000x128xf32, #tpu.memory_space<vmem>>, vector<1x128xf32>
          %max3A_536 = arith.maximumf %get3A_532, %get3A_535 : vector<1x128xf32>
          %swap3A_537 = arith.index_cast %get3A_529 : i32 to index
          %swap3A_538 = arith.constant 0 : index
          %swap3A_539 = vector.load %arg10[%swap3A_537, %swap3A_538] : memref<64x128xf32, #tpu.memory_space<vmem>>, vector<1x128xf32>
          tpu.vector_store %arg10[%swap3A_537, %swap3A_538], %max3A_536 {strides = array<i32>} : memref<64x128xf32, #tpu.memory_space<vmem>>, vector<1x128xf32>,
          %add3A_540 = arith.constant 7 : i32
          %add3A_541 = arith.addi %add3A_391, %add3A_540 : i32
          %get3A_542 = arith.index_cast %add3A_541 : i32 to index
          %get3A_543 = memref.load %arg2[%get3A_542] : memref<10000xi32, #tpu.memory_space<smem>>
          %get3A_544 = arith.index_cast %get3A_543 : i32 to index
          %get3A_545 = arith.constant 0 : index
          %get3A_546 = vector.load %arg10[%get3A_544, %get3A_545] : memref<64x128xf32, #tpu.memory_space<vmem>>, vector<1x128xf32>
          %get3A_547 = arith.index_cast %add3A_541 : i32 to index
          %get3A_548 = arith.constant 0 : index
          %get3A_549 = vector.load %arg7[%get3A_547, %get3A_548] : memref<10000x128xf32, #tpu.memory_space<vmem>>, vector<1x128xf32>
          %max3A_550 = arith.maximumf %get3A_546, %get3A_549 : vector<1x128xf32>
          %swap3A_551 = arith.index_cast %get3A_543 : i32 to index
          %swap3A_552 = arith.constant 0 : index
          %swap3A_553 = vector.load %arg10[%swap3A_551, %swap3A_552] : memref<64x128xf32, #tpu.memory_space<vmem>>, vector<1x128xf32>
          tpu.vector_store %arg10[%swap3A_551, %swap3A_552], %max3A_550 {strides = array<i32>} : memref<64x128xf32, #tpu.memory_space<vmem>>, vector<1x128xf32>,
        } else {
        }
        %mul3A_406 = arith.constant 64 : i32
        %mul3A_407 = arith.muli %select_n3A_292, %mul3A_406 : i32
        %add3A_408 = arith.constant 48 : i32
        %add3A_409 = arith.addi %mul3A_407, %add3A_408 : i32
        %get3A_410 = arith.index_cast %add3A_409 : i32 to index
        %get3A_411 = memref.load %arg2[%get3A_410] : memref<10000xi32, #tpu.memory_space<smem>>
        %add3A_412 = arith.constant 7 : i32
        %add3A_413 = arith.addi %add3A_409, %add3A_412 : i32
        %get3A_414 = arith.index_cast %add3A_413 : i32 to index
        %get3A_415 = memref.load %arg2[%get3A_414] : memref<10000xi32, #tpu.memory_space<smem>>
        %eq3A_416 = arith.cmpi eq, %get3A_411, %get3A_415 : i32
        %convert_element_type3A_417 = arith.extui %eq3A_416 : i1 to i32
        %cond3A_418 = arith.constant 0 : i32
        %cond3A_419 = arith.cmpi ne, %convert_element_type3A_417, %cond3A_418 : i32
        scf.if %cond3A_419 {
          %get3A_442 = arith.index_cast %get3A_411 : i32 to index
          %get3A_443 = arith.constant 0 : index
          %get3A_444 = vector.load %arg10[%get3A_442, %get3A_443] : memref<64x128xf32, #tpu.memory_space<vmem>>, vector<1x128xf32>
          %mul3A_445 = arith.constant 8 : i32
          %mul3A_446 = arith.muli %select_n3A_292, %mul3A_445 : i32
          %add3A_447 = arith.constant 6 : i32
          %add3A_448 = arith.addi %mul3A_446, %add3A_447 : i32
          %get3A_449 = arith.index_cast %add3A_448 : i32 to index
          %get3A_450 = arith.constant 0 : index
          %get3A_451 = vector.load %arg11[%get3A_449, %get3A_450] : memref<1250x128xf32, #tpu.memory_space<vmem>>, vector<1x128xf32>
          %max3A_452 = arith.maximumf %get3A_444, %get3A_451 : vector<1x128xf32>
          %swap3A_453 = arith.index_cast %get3A_411 : i32 to index
          %swap3A_454 = arith.constant 0 : index
          %swap3A_455 = vector.load %arg10[%swap3A_453, %swap3A_454] : memref<64x128xf32, #tpu.memory_space<vmem>>, vector<1x128xf32>
          tpu.vector_store %arg10[%swap3A_453, %swap3A_454], %max3A_452 {strides = array<i32>} : memref<64x128xf32, #tpu.memory_space<vmem>>, vector<1x128xf32>,
        } else {
        }
        %ne3A_420 = arith.cmpi ne, %get3A_411, %get3A_415 : i32
        %convert_element_type3A_421 = arith.extui %ne3A_420 : i1 to i32
        %cond3A_422 = arith.constant 0 : i32
        %cond3A_423 = arith.cmpi ne, %convert_element_type3A_421, %cond3A_422 : i32
        scf.if %cond3A_423 {
          %add3A_442 = arith.constant 0 : i32
          %add3A_443 = arith.addi %add3A_409, %add3A_442 : i32
          %get3A_444 = arith.index_cast %add3A_443 : i32 to index
          %get3A_445 = memref.load %arg2[%get3A_444] : memref<10000xi32, #tpu.memory_space<smem>>
          %get3A_446 = arith.index_cast %get3A_445 : i32 to index
          %get3A_447 = arith.constant 0 : index
          %get3A_448 = vector.load %arg10[%get3A_446, %get3A_447] : memref<64x128xf32, #tpu.memory_space<vmem>>, vector<1x128xf32>
          %get3A_449 = arith.index_cast %add3A_443 : i32 to index
          %get3A_450 = arith.constant 0 : index
          %get3A_451 = vector.load %arg7[%get3A_449, %get3A_450] : memref<10000x128xf32, #tpu.memory_space<vmem>>, vector<1x128xf32>
          %max3A_452 = arith.maximumf %get3A_448, %get3A_451 : vector<1x128xf32>
          %swap3A_453 = arith.index_cast %get3A_445 : i32 to index
          %swap3A_454 = arith.constant 0 : index
          %swap3A_455 = vector.load %arg10[%swap3A_453, %swap3A_454] : memref<64x128xf32, #tpu.memory_space<vmem>>, vector<1x128xf32>
          tpu.vector_store %arg10[%swap3A_453, %swap3A_454], %max3A_452 {strides = array<i32>} : memref<64x128xf32, #tpu.memory_space<vmem>>, vector<1x128xf32>,
          %add3A_456 = arith.constant 1 : i32
          %add3A_457 = arith.addi %add3A_409, %add3A_456 : i32
          %get3A_458 = arith.index_cast %add3A_457 : i32 to index
          %get3A_459 = memref.load %arg2[%get3A_458] : memref<10000xi32, #tpu.memory_space<smem>>
          %get3A_460 = arith.index_cast %get3A_459 : i32 to index
          %get3A_461 = arith.constant 0 : index
          %get3A_462 = vector.load %arg10[%get3A_460, %get3A_461] : memref<64x128xf32, #tpu.memory_space<vmem>>, vector<1x128xf32>
          %get3A_463 = arith.index_cast %add3A_457 : i32 to index
          %get3A_464 = arith.constant 0 : index
          %get3A_465 = vector.load %arg7[%get3A_463, %get3A_464] : memref<10000x128xf32, #tpu.memory_space<vmem>>, vector<1x128xf32>
          %max3A_466 = arith.maximumf %get3A_462, %get3A_465 : vector<1x128xf32>
          %swap3A_467 = arith.index_cast %get3A_459 : i32 to index
          %swap3A_468 = arith.constant 0 : index
          %swap3A_469 = vector.load %arg10[%swap3A_467, %swap3A_468] : memref<64x128xf32, #tpu.memory_space<vmem>>, vector<1x128xf32>
          tpu.vector_store %arg10[%swap3A_467, %swap3A_468], %max3A_466 {strides = array<i32>} : memref<64x128xf32, #tpu.memory_space<vmem>>, vector<1x128xf32>,
          %add3A_470 = arith.constant 2 : i32
          %add3A_471 = arith.addi %add3A_409, %add3A_470 : i32
          %get3A_472 = arith.index_cast %add3A_471 : i32 to index
          %get3A_473 = memref.load %arg2[%get3A_472] : memref<10000xi32, #tpu.memory_space<smem>>
          %get3A_474 = arith.index_cast %get3A_473 : i32 to index
          %get3A_475 = arith.constant 0 : index
          %get3A_476 = vector.load %arg10[%get3A_474, %get3A_475] : memref<64x128xf32, #tpu.memory_space<vmem>>, vector<1x128xf32>
          %get3A_477 = arith.index_cast %add3A_471 : i32 to index
          %get3A_478 = arith.constant 0 : index
          %get3A_479 = vector.load %arg7[%get3A_477, %get3A_478] : memref<10000x128xf32, #tpu.memory_space<vmem>>, vector<1x128xf32>
          %max3A_480 = arith.maximumf %get3A_476, %get3A_479 : vector<1x128xf32>
          %swap3A_481 = arith.index_cast %get3A_473 : i32 to index
          %swap3A_482 = arith.constant 0 : index
          %swap3A_483 = vector.load %arg10[%swap3A_481, %swap3A_482] : memref<64x128xf32, #tpu.memory_space<vmem>>, vector<1x128xf32>
          tpu.vector_store %arg10[%swap3A_481, %swap3A_482], %max3A_480 {strides = array<i32>} : memref<64x128xf32, #tpu.memory_space<vmem>>, vector<1x128xf32>,
          %add3A_484 = arith.constant 3 : i32
          %add3A_485 = arith.addi %add3A_409, %add3A_484 : i32
          %get3A_486 = arith.index_cast %add3A_485 : i32 to index
          %get3A_487 = memref.load %arg2[%get3A_486] : memref<10000xi32, #tpu.memory_space<smem>>
          %get3A_488 = arith.index_cast %get3A_487 : i32 to index
          %get3A_489 = arith.constant 0 : index
          %get3A_490 = vector.load %arg10[%get3A_488, %get3A_489] : memref<64x128xf32, #tpu.memory_space<vmem>>, vector<1x128xf32>
          %get3A_491 = arith.index_cast %add3A_485 : i32 to index
          %get3A_492 = arith.constant 0 : index
          %get3A_493 = vector.load %arg7[%get3A_491, %get3A_492] : memref<10000x128xf32, #tpu.memory_space<vmem>>, vector<1x128xf32>
          %max3A_494 = arith.maximumf %get3A_490, %get3A_493 : vector<1x128xf32>
          %swap3A_495 = arith.index_cast %get3A_487 : i32 to index
          %swap3A_496 = arith.constant 0 : index
          %swap3A_497 = vector.load %arg10[%swap3A_495, %swap3A_496] : memref<64x128xf32, #tpu.memory_space<vmem>>, vector<1x128xf32>
          tpu.vector_store %arg10[%swap3A_495, %swap3A_496], %max3A_494 {strides = array<i32>} : memref<64x128xf32, #tpu.memory_space<vmem>>, vector<1x128xf32>,
          %add3A_498 = arith.constant 4 : i32
          %add3A_499 = arith.addi %add3A_409, %add3A_498 : i32
          %get3A_500 = arith.index_cast %add3A_499 : i32 to index
          %get3A_501 = memref.load %arg2[%get3A_500] : memref<10000xi32, #tpu.memory_space<smem>>
          %get3A_502 = arith.index_cast %get3A_501 : i32 to index
          %get3A_503 = arith.constant 0 : index
          %get3A_504 = vector.load %arg10[%get3A_502, %get3A_503] : memref<64x128xf32, #tpu.memory_space<vmem>>, vector<1x128xf32>
          %get3A_505 = arith.index_cast %add3A_499 : i32 to index
          %get3A_506 = arith.constant 0 : index
          %get3A_507 = vector.load %arg7[%get3A_505, %get3A_506] : memref<10000x128xf32, #tpu.memory_space<vmem>>, vector<1x128xf32>
          %max3A_508 = arith.maximumf %get3A_504, %get3A_507 : vector<1x128xf32>
          %swap3A_509 = arith.index_cast %get3A_501 : i32 to index
          %swap3A_510 = arith.constant 0 : index
          %swap3A_511 = vector.load %arg10[%swap3A_509, %swap3A_510] : memref<64x128xf32, #tpu.memory_space<vmem>>, vector<1x128xf32>
          tpu.vector_store %arg10[%swap3A_509, %swap3A_510], %max3A_508 {strides = array<i32>} : memref<64x128xf32, #tpu.memory_space<vmem>>, vector<1x128xf32>,
          %add3A_512 = arith.constant 5 : i32
          %add3A_513 = arith.addi %add3A_409, %add3A_512 : i32
          %get3A_514 = arith.index_cast %add3A_513 : i32 to index
          %get3A_515 = memref.load %arg2[%get3A_514] : memref<10000xi32, #tpu.memory_space<smem>>
          %get3A_516 = arith.index_cast %get3A_515 : i32 to index
          %get3A_517 = arith.constant 0 : index
          %get3A_518 = vector.load %arg10[%get3A_516, %get3A_517] : memref<64x128xf32, #tpu.memory_space<vmem>>, vector<1x128xf32>
          %get3A_519 = arith.index_cast %add3A_513 : i32 to index
          %get3A_520 = arith.constant 0 : index
          %get3A_521 = vector.load %arg7[%get3A_519, %get3A_520] : memref<10000x128xf32, #tpu.memory_space<vmem>>, vector<1x128xf32>
          %max3A_522 = arith.maximumf %get3A_518, %get3A_521 : vector<1x128xf32>
          %swap3A_523 = arith.index_cast %get3A_515 : i32 to index
          %swap3A_524 = arith.constant 0 : index
          %swap3A_525 = vector.load %arg10[%swap3A_523, %swap3A_524] : memref<64x128xf32, #tpu.memory_space<vmem>>, vector<1x128xf32>
          tpu.vector_store %arg10[%swap3A_523, %swap3A_524], %max3A_522 {strides = array<i32>} : memref<64x128xf32, #tpu.memory_space<vmem>>, vector<1x128xf32>,
          %add3A_526 = arith.constant 6 : i32
          %add3A_527 = arith.addi %add3A_409, %add3A_526 : i32
          %get3A_528 = arith.index_cast %add3A_527 : i32 to index
          %get3A_529 = memref.load %arg2[%get3A_528] : memref<10000xi32, #tpu.memory_space<smem>>
          %get3A_530 = arith.index_cast %get3A_529 : i32 to index
          %get3A_531 = arith.constant 0 : index
          %get3A_532 = vector.load %arg10[%get3A_530, %get3A_531] : memref<64x128xf32, #tpu.memory_space<vmem>>, vector<1x128xf32>
          %get3A_533 = arith.index_cast %add3A_527 : i32 to index
          %get3A_534 = arith.constant 0 : index
          %get3A_535 = vector.load %arg7[%get3A_533, %get3A_534] : memref<10000x128xf32, #tpu.memory_space<vmem>>, vector<1x128xf32>
          %max3A_536 = arith.maximumf %get3A_532, %get3A_535 : vector<1x128xf32>
          %swap3A_537 = arith.index_cast %get3A_529 : i32 to index
          %swap3A_538 = arith.constant 0 : index
          %swap3A_539 = vector.load %arg10[%swap3A_537, %swap3A_538] : memref<64x128xf32, #tpu.memory_space<vmem>>, vector<1x128xf32>
          tpu.vector_store %arg10[%swap3A_537, %swap3A_538], %max3A_536 {strides = array<i32>} : memref<64x128xf32, #tpu.memory_space<vmem>>, vector<1x128xf32>,
          %add3A_540 = arith.constant 7 : i32
          %add3A_541 = arith.addi %add3A_409, %add3A_540 : i32
          %get3A_542 = arith.index_cast %add3A_541 : i32 to index
          %get3A_543 = memref.load %arg2[%get3A_542] : memref<10000xi32, #tpu.memory_space<smem>>
          %get3A_544 = arith.index_cast %get3A_543 : i32 to index
          %get3A_545 = arith.constant 0 : index
          %get3A_546 = vector.load %arg10[%get3A_544, %get3A_545] : memref<64x128xf32, #tpu.memory_space<vmem>>, vector<1x128xf32>
          %get3A_547 = arith.index_cast %add3A_541 : i32 to index
          %get3A_548 = arith.constant 0 : index
          %get3A_549 = vector.load %arg7[%get3A_547, %get3A_548] : memref<10000x128xf32, #tpu.memory_space<vmem>>, vector<1x128xf32>
          %max3A_550 = arith.maximumf %get3A_546, %get3A_549 : vector<1x128xf32>
          %swap3A_551 = arith.index_cast %get3A_543 : i32 to index
          %swap3A_552 = arith.constant 0 : index
          %swap3A_553 = vector.load %arg10[%swap3A_551, %swap3A_552] : memref<64x128xf32, #tpu.memory_space<vmem>>, vector<1x128xf32>
          tpu.vector_store %arg10[%swap3A_551, %swap3A_552], %max3A_550 {strides = array<i32>} : memref<64x128xf32, #tpu.memory_space<vmem>>, vector<1x128xf32>,
        } else {
        }
        %mul3A_424 = arith.constant 64 : i32
        %mul3A_425 = arith.muli %select_n3A_292, %mul3A_424 : i32
        %add3A_426 = arith.constant 56 : i32
        %add3A_427 = arith.addi %mul3A_425, %add3A_426 : i32
        %get3A_428 = arith.index_cast %add3A_427 : i32 to index
        %get3A_429 = memref.load %arg2[%get3A_428] : memref<10000xi32, #tpu.memory_space<smem>>
        %add3A_430 = arith.constant 7 : i32
        %add3A_431 = arith.addi %add3A_427, %add3A_430 : i32
        %get3A_432 = arith.index_cast %add3A_431 : i32 to index
        %get3A_433 = memref.load %arg2[%get3A_432] : memref<10000xi32, #tpu.memory_space<smem>>
        %eq3A_434 = arith.cmpi eq, %get3A_429, %get3A_433 : i32
        %convert_element_type3A_435 = arith.extui %eq3A_434 : i1 to i32
        %cond3A_436 = arith.constant 0 : i32
        %cond3A_437 = arith.cmpi ne, %convert_element_type3A_435, %cond3A_436 : i32
        scf.if %cond3A_437 {
          %get3A_442 = arith.index_cast %get3A_429 : i32 to index
          %get3A_443 = arith.constant 0 : index
          %get3A_444 = vector.load %arg10[%get3A_442, %get3A_443] : memref<64x128xf32, #tpu.memory_space<vmem>>, vector<1x128xf32>
          %mul3A_445 = arith.constant 8 : i32
          %mul3A_446 = arith.muli %select_n3A_292, %mul3A_445 : i32
          %add3A_447 = arith.constant 7 : i32
          %add3A_448 = arith.addi %mul3A_446, %add3A_447 : i32
          %get3A_449 = arith.index_cast %add3A_448 : i32 to index
          %get3A_450 = arith.constant 0 : index
          %get3A_451 = vector.load %arg11[%get3A_449, %get3A_450] : memref<1250x128xf32, #tpu.memory_space<vmem>>, vector<1x128xf32>
          %max3A_452 = arith.maximumf %get3A_444, %get3A_451 : vector<1x128xf32>
          %swap3A_453 = arith.index_cast %get3A_429 : i32 to index
          %swap3A_454 = arith.constant 0 : index
          %swap3A_455 = vector.load %arg10[%swap3A_453, %swap3A_454] : memref<64x128xf32, #tpu.memory_space<vmem>>, vector<1x128xf32>
          tpu.vector_store %arg10[%swap3A_453, %swap3A_454], %max3A_452 {strides = array<i32>} : memref<64x128xf32, #tpu.memory_space<vmem>>, vector<1x128xf32>,
        } else {
        }
        %ne3A_438 = arith.cmpi ne, %get3A_429, %get3A_433 : i32
        %convert_element_type3A_439 = arith.extui %ne3A_438 : i1 to i32
        %cond3A_440 = arith.constant 0 : i32
        %cond3A_441 = arith.cmpi ne, %convert_element_type3A_439, %cond3A_440 : i32
        scf.if %cond3A_441 {
          %add3A_442 = arith.constant 0 : i32
          %add3A_443 = arith.addi %add3A_427, %add3A_442 : i32
          %get3A_444 = arith.index_cast %add3A_443 : i32 to index
          %get3A_445 = memref.load %arg2[%get3A_444] : memref<10000xi32, #tpu.memory_space<smem>>
          %get3A_446 = arith.index_cast %get3A_445 : i32 to index
          %get3A_447 = arith.constant 0 : index
          %get3A_448 = vector.load %arg10[%get3A_446, %get3A_447] : memref<64x128xf32, #tpu.memory_space<vmem>>, vector<1x128xf32>
          %get3A_449 = arith.index_cast %add3A_443 : i32 to index
          %get3A_450 = arith.constant 0 : index
          %get3A_451 = vector.load %arg7[%get3A_449, %get3A_450] : memref<10000x128xf32, #tpu.memory_space<vmem>>, vector<1x128xf32>
          %max3A_452 = arith.maximumf %get3A_448, %get3A_451 : vector<1x128xf32>
          %swap3A_453 = arith.index_cast %get3A_445 : i32 to index
          %swap3A_454 = arith.constant 0 : index
          %swap3A_455 = vector.load %arg10[%swap3A_453, %swap3A_454] : memref<64x128xf32, #tpu.memory_space<vmem>>, vector<1x128xf32>
          tpu.vector_store %arg10[%swap3A_453, %swap3A_454], %max3A_452 {strides = array<i32>} : memref<64x128xf32, #tpu.memory_space<vmem>>, vector<1x128xf32>,
          %add3A_456 = arith.constant 1 : i32
          %add3A_457 = arith.addi %add3A_427, %add3A_456 : i32
          %get3A_458 = arith.index_cast %add3A_457 : i32 to index
          %get3A_459 = memref.load %arg2[%get3A_458] : memref<10000xi32, #tpu.memory_space<smem>>
          %get3A_460 = arith.index_cast %get3A_459 : i32 to index
          %get3A_461 = arith.constant 0 : index
          %get3A_462 = vector.load %arg10[%get3A_460, %get3A_461] : memref<64x128xf32, #tpu.memory_space<vmem>>, vector<1x128xf32>
          %get3A_463 = arith.index_cast %add3A_457 : i32 to index
          %get3A_464 = arith.constant 0 : index
          %get3A_465 = vector.load %arg7[%get3A_463, %get3A_464] : memref<10000x128xf32, #tpu.memory_space<vmem>>, vector<1x128xf32>
          %max3A_466 = arith.maximumf %get3A_462, %get3A_465 : vector<1x128xf32>
          %swap3A_467 = arith.index_cast %get3A_459 : i32 to index
          %swap3A_468 = arith.constant 0 : index
          %swap3A_469 = vector.load %arg10[%swap3A_467, %swap3A_468] : memref<64x128xf32, #tpu.memory_space<vmem>>, vector<1x128xf32>
          tpu.vector_store %arg10[%swap3A_467, %swap3A_468], %max3A_466 {strides = array<i32>} : memref<64x128xf32, #tpu.memory_space<vmem>>, vector<1x128xf32>,
          %add3A_470 = arith.constant 2 : i32
          %add3A_471 = arith.addi %add3A_427, %add3A_470 : i32
          %get3A_472 = arith.index_cast %add3A_471 : i32 to index
          %get3A_473 = memref.load %arg2[%get3A_472] : memref<10000xi32, #tpu.memory_space<smem>>
          %get3A_474 = arith.index_cast %get3A_473 : i32 to index
          %get3A_475 = arith.constant 0 : index
          %get3A_476 = vector.load %arg10[%get3A_474, %get3A_475] : memref<64x128xf32, #tpu.memory_space<vmem>>, vector<1x128xf32>
          %get3A_477 = arith.index_cast %add3A_471 : i32 to index
          %get3A_478 = arith.constant 0 : index
          %get3A_479 = vector.load %arg7[%get3A_477, %get3A_478] : memref<10000x128xf32, #tpu.memory_space<vmem>>, vector<1x128xf32>
          %max3A_480 = arith.maximumf %get3A_476, %get3A_479 : vector<1x128xf32>
          %swap3A_481 = arith.index_cast %get3A_473 : i32 to index
          %swap3A_482 = arith.constant 0 : index
          %swap3A_483 = vector.load %arg10[%swap3A_481, %swap3A_482] : memref<64x128xf32, #tpu.memory_space<vmem>>, vector<1x128xf32>
          tpu.vector_store %arg10[%swap3A_481, %swap3A_482], %max3A_480 {strides = array<i32>} : memref<64x128xf32, #tpu.memory_space<vmem>>, vector<1x128xf32>,
          %add3A_484 = arith.constant 3 : i32
          %add3A_485 = arith.addi %add3A_427, %add3A_484 : i32
          %get3A_486 = arith.index_cast %add3A_485 : i32 to index
          %get3A_487 = memref.load %arg2[%get3A_486] : memref<10000xi32, #tpu.memory_space<smem>>
          %get3A_488 = arith.index_cast %get3A_487 : i32 to index
          %get3A_489 = arith.constant 0 : index
          %get3A_490 = vector.load %arg10[%get3A_488, %get3A_489] : memref<64x128xf32, #tpu.memory_space<vmem>>, vector<1x128xf32>
          %get3A_491 = arith.index_cast %add3A_485 : i32 to index
          %get3A_492 = arith.constant 0 : index
          %get3A_493 = vector.load %arg7[%get3A_491, %get3A_492] : memref<10000x128xf32, #tpu.memory_space<vmem>>, vector<1x128xf32>
          %max3A_494 = arith.maximumf %get3A_490, %get3A_493 : vector<1x128xf32>
          %swap3A_495 = arith.index_cast %get3A_487 : i32 to index
          %swap3A_496 = arith.constant 0 : index
          %swap3A_497 = vector.load %arg10[%swap3A_495, %swap3A_496] : memref<64x128xf32, #tpu.memory_space<vmem>>, vector<1x128xf32>
          tpu.vector_store %arg10[%swap3A_495, %swap3A_496], %max3A_494 {strides = array<i32>} : memref<64x128xf32, #tpu.memory_space<vmem>>, vector<1x128xf32>,
          %add3A_498 = arith.constant 4 : i32
          %add3A_499 = arith.addi %add3A_427, %add3A_498 : i32
          %get3A_500 = arith.index_cast %add3A_499 : i32 to index
          %get3A_501 = memref.load %arg2[%get3A_500] : memref<10000xi32, #tpu.memory_space<smem>>
          %get3A_502 = arith.index_cast %get3A_501 : i32 to index
          %get3A_503 = arith.constant 0 : index
          %get3A_504 = vector.load %arg10[%get3A_502, %get3A_503] : memref<64x128xf32, #tpu.memory_space<vmem>>, vector<1x128xf32>
          %get3A_505 = arith.index_cast %add3A_499 : i32 to index
          %get3A_506 = arith.constant 0 : index
          %get3A_507 = vector.load %arg7[%get3A_505, %get3A_506] : memref<10000x128xf32, #tpu.memory_space<vmem>>, vector<1x128xf32>
          %max3A_508 = arith.maximumf %get3A_504, %get3A_507 : vector<1x128xf32>
          %swap3A_509 = arith.index_cast %get3A_501 : i32 to index
          %swap3A_510 = arith.constant 0 : index
          %swap3A_511 = vector.load %arg10[%swap3A_509, %swap3A_510] : memref<64x128xf32, #tpu.memory_space<vmem>>, vector<1x128xf32>
          tpu.vector_store %arg10[%swap3A_509, %swap3A_510], %max3A_508 {strides = array<i32>} : memref<64x128xf32, #tpu.memory_space<vmem>>, vector<1x128xf32>,
          %add3A_512 = arith.constant 5 : i32
          %add3A_513 = arith.addi %add3A_427, %add3A_512 : i32
          %get3A_514 = arith.index_cast %add3A_513 : i32 to index
          %get3A_515 = memref.load %arg2[%get3A_514] : memref<10000xi32, #tpu.memory_space<smem>>
          %get3A_516 = arith.index_cast %get3A_515 : i32 to index
          %get3A_517 = arith.constant 0 : index
          %get3A_518 = vector.load %arg10[%get3A_516, %get3A_517] : memref<64x128xf32, #tpu.memory_space<vmem>>, vector<1x128xf32>
          %get3A_519 = arith.index_cast %add3A_513 : i32 to index
          %get3A_520 = arith.constant 0 : index
          %get3A_521 = vector.load %arg7[%get3A_519, %get3A_520] : memref<10000x128xf32, #tpu.memory_space<vmem>>, vector<1x128xf32>
          %max3A_522 = arith.maximumf %get3A_518, %get3A_521 : vector<1x128xf32>
          %swap3A_523 = arith.index_cast %get3A_515 : i32 to index
          %swap3A_524 = arith.constant 0 : index
          %swap3A_525 = vector.load %arg10[%swap3A_523, %swap3A_524] : memref<64x128xf32, #tpu.memory_space<vmem>>, vector<1x128xf32>
          tpu.vector_store %arg10[%swap3A_523, %swap3A_524], %max3A_522 {strides = array<i32>} : memref<64x128xf32, #tpu.memory_space<vmem>>, vector<1x128xf32>,
          %add3A_526 = arith.constant 6 : i32
          %add3A_527 = arith.addi %add3A_427, %add3A_526 : i32
          %get3A_528 = arith.index_cast %add3A_527 : i32 to index
          %get3A_529 = memref.load %arg2[%get3A_528] : memref<10000xi32, #tpu.memory_space<smem>>
          %get3A_530 = arith.index_cast %get3A_529 : i32 to index
          %get3A_531 = arith.constant 0 : index
          %get3A_532 = vector.load %arg10[%get3A_530, %get3A_531] : memref<64x128xf32, #tpu.memory_space<vmem>>, vector<1x128xf32>
          %get3A_533 = arith.index_cast %add3A_527 : i32 to index
          %get3A_534 = arith.constant 0 : index
          %get3A_535 = vector.load %arg7[%get3A_533, %get3A_534] : memref<10000x128xf32, #tpu.memory_space<vmem>>, vector<1x128xf32>
          %max3A_536 = arith.maximumf %get3A_532, %get3A_535 : vector<1x128xf32>
          %swap3A_537 = arith.index_cast %get3A_529 : i32 to index
          %swap3A_538 = arith.constant 0 : index
          %swap3A_539 = vector.load %arg10[%swap3A_537, %swap3A_538] : memref<64x128xf32, #tpu.memory_space<vmem>>, vector<1x128xf32>
          tpu.vector_store %arg10[%swap3A_537, %swap3A_538], %max3A_536 {strides = array<i32>} : memref<64x128xf32, #tpu.memory_space<vmem>>, vector<1x128xf32>,
          %add3A_540 = arith.constant 7 : i32
          %add3A_541 = arith.addi %add3A_427, %add3A_540 : i32
          %get3A_542 = arith.index_cast %add3A_541 : i32 to index
          %get3A_543 = memref.load %arg2[%get3A_542] : memref<10000xi32, #tpu.memory_space<smem>>
          %get3A_544 = arith.index_cast %get3A_543 : i32 to index
          %get3A_545 = arith.constant 0 : index
          %get3A_546 = vector.load %arg10[%get3A_544, %get3A_545] : memref<64x128xf32, #tpu.memory_space<vmem>>, vector<1x128xf32>
          %get3A_547 = arith.index_cast %add3A_541 : i32 to index
          %get3A_548 = arith.constant 0 : index
          %get3A_549 = vector.load %arg7[%get3A_547, %get3A_548] : memref<10000x128xf32, #tpu.memory_space<vmem>>, vector<1x128xf32>
          %max3A_550 = arith.maximumf %get3A_546, %get3A_549 : vector<1x128xf32>
          %swap3A_551 = arith.index_cast %get3A_543 : i32 to index
          %swap3A_552 = arith.constant 0 : index
          %swap3A_553 = vector.load %arg10[%swap3A_551, %swap3A_552] : memref<64x128xf32, #tpu.memory_space<vmem>>, vector<1x128xf32>
          tpu.vector_store %arg10[%swap3A_551, %swap3A_552], %max3A_550 {strides = array<i32>} : memref<64x128xf32, #tpu.memory_space<vmem>>, vector<1x128xf32>,
        } else {
        }
      } else {
      }
    }
    %scan3A_232 = arith.constant 49 : i32
    %get3A_233 = arith.constant 0 : index
    %get3A_234 = arith.constant 0 : index
    %get3A_235 = vector.load %arg10[%get3A_233, %get3A_234] : memref<64x128xf32, #tpu.memory_space<vmem>>, vector<64x128xf32>
    %concatenate3A = tpu.concatenate %add3A, %get3A_235 in 1 : vector<64x128xf32>, vector<64x128xf32> -> vector<64x256xf32>
    %tanh3A = math.tanh %concatenate3A : vector<64x256xf32>
    %get3A_236 = arith.constant 0 : index
    %get3A_237 = arith.constant 0 : index
    %get3A_238 = vector.load %arg3[%get3A_236, %get3A_237] : memref<256x12xf32, #tpu.memory_space<vmem>>, vector<256x12xf32>
    %dot_general3A_239 = arith.constant dense<0.000000e+00> : vector<64x12xf32>
    %dot_general3A_240 = tpu.matmul %tanh3A, %get3A_238, %dot_general3A_239 {dimension_numbers = #tpu.dot_dimension_numbers<[1], [0], [0], [1], [0, 0, 1, 1], [], []>, precision = #tpu.contract_precision<fp32>, transpose_lhs_hint = false} : vector<64x256xf32>, vector<256x12xf32>, vector<64x12xf32> -> vector<64x12xf32>
    %get3A_241 = arith.constant 0 : index
    %get3A_242 = arith.constant 0 : index
    %get3A_243 = vector.load %arg5[%get3A_241, %get3A_242] : memref<1x12xf32, #tpu.memory_space<vmem>>, vector<1x12xf32>
    %add3A_244 = vector.broadcast %get3A_243 : vector<1x12xf32> to vector<64x12xf32>
    %add3A_245 = arith.addf %dot_general3A_240, %add3A_244 : vector<64x12xf32>
    %get3A_246 = arith.constant 0 : index
    %get3A_247 = arith.constant 0 : index
    %get3A_248 = vector.load %arg4[%get3A_246, %get3A_247] : memref<256x12xf32, #tpu.memory_space<vmem>>, vector<256x12xf32>
    %dot_general3A_249 = arith.constant dense<0.000000e+00> : vector<64x12xf32>
    %dot_general3A_250 = tpu.matmul %tanh3A, %get3A_248, %dot_general3A_249 {dimension_numbers = #tpu.dot_dimension_numbers<[1], [0], [0], [1], [0, 0, 1, 1], [], []>, precision = #tpu.contract_precision<fp32>, transpose_lhs_hint = false} : vector<64x256xf32>, vector<256x12xf32>, vector<64x12xf32> -> vector<64x12xf32>
    %get3A_251 = arith.constant 0 : index
    %get3A_252 = arith.constant 0 : index
    %get3A_253 = vector.load %arg6[%get3A_251, %get3A_252] : memref<1x12xf32, #tpu.memory_space<vmem>>, vector<1x12xf32>
    %add3A_254 = vector.broadcast %get3A_253 : vector<1x12xf32> to vector<64x12xf32>
    %add3A_255 = arith.addf %dot_general3A_250, %add3A_254 : vector<64x12xf32>
    %max3A_256 = arith.maximumf %add3A_245, %add3A_255 : vector<64x12xf32>
    %sub3A_257 = arith.subf %add3A_245, %max3A_256 : vector<64x12xf32>
    %exp3A = math.exp %sub3A_257 : vector<64x12xf32>
    %sub3A_258 = arith.subf %add3A_255, %max3A_256 : vector<64x12xf32>
    %exp3A_259 = math.exp %sub3A_258 : vector<64x12xf32>
    %add3A_260 = arith.addf %exp3A, %exp3A_259 : vector<64x12xf32>
    %div3A = arith.constant 1.000000e+00 : f32
    %div3A_261 = vector.broadcast %div3A : f32 to vector<64x12xf32>
    %div3A_262 = arith.divf %div3A_261, %add3A_260 : vector<64x12xf32>
    %mul3A = arith.mulf %exp3A, %div3A_262 : vector<64x12xf32>
    %swap3A_263 = arith.constant 0 : index
    %swap3A_264 = arith.constant 0 : index
    %swap3A_265 = vector.load %arg8[%swap3A_263, %swap3A_264] : memref<64x12xf32, #tpu.memory_space<vmem>>, vector<64x12xf32>
    tpu.vector_store %arg8[%swap3A_263, %swap3A_264], %mul3A {strides = array<i32>} : memref<64x12xf32, #tpu.memory_space<vmem>>, vector<64x12xf32>,
    %mul3A_266 = arith.mulf %exp3A_259, %div3A_262 : vector<64x12xf32>
    %swap3A_267 = arith.constant 0 : index
    %swap3A_268 = arith.constant 0 : index
    %swap3A_269 = vector.load %arg9[%swap3A_267, %swap3A_268] : memref<64x12xf32, #tpu.memory_space<vmem>>, vector<64x12xf32>
    tpu.vector_store %arg9[%swap3A_267, %swap3A_268], %mul3A_266 {strides = array<i32>} : memref<64x12xf32, #tpu.memory_space<vmem>>, vector<64x12xf32>,
    return
  }
}

</mosaic_0001>

<sc_bundles>
// kernel: kernel.6.cloned.1.call-start
scs
__scs_entry_jumppad:
0x0: {  	(pc) =	sbr.rel $0x88, $3  }
0x1: {  	(tag) =	ssettag $0x0;
	lr =	simm.s32 $0x1  }
0x2: {  	[smem:$0x3F97] =	sst lr;
	_ =	strace $0xD0000000  }
0x3: {  	_ = 	snop  }
0x4: {  	_ = 	snop  }
0x5: {  	_ = 	snop  }
0x6: {  	_ = 	snop  }
0x7: {  	_ = 	snop  }
__scs_overlays_trampoline_lowered:
0x8: {  	[smem:$0x3FA6] =	sst s0  }
0x9: {  	[smem:$0x3FA7] =	sst s1  }
0xa: {  	[smem:$0x3FA8] =	sst s2  }
0xb: {  	[smem:$0x3FA9] =	sst s3  }
0xc: {  	[smem:$0x3FAA] =	sst s4  }
0xd: {  	[smem:$0x3FAB] =	sst s5  }
0xe: {  	[smem:$0x3FAC] =	sst s6  }
0xf: {  	[smem:$0x3FAD] =	sst s7  }
0x10: {  	[smem:$0x3FAE] =	sst s8  }
0x11: {  	[smem:$0x3FAF] =	sst s9;
	s0 =	simm.s32 @!p0 $0x0  }
0x12: {  	s1 =	sld [smem:$0x3F95];
	s0 =	simm.s32 @p0 $0x1  }
0x13: {  	[smem:$0x3FB0] =	sst s0;
	s0 =	simm.s32 @!p1 $0x0  }
0x14: {  	s2 =	sld [smem:$0x3F94];
	s0 =	simm.s32 @p1 $0x1  }
0x15: {  	[smem:$0x3FB1] =	sst s0;
	s0 =	simm.s32 @!p2 $0x0  }
0x16: {  	s3 =	sld [smem:$0x3FDB];
	s0 =	simm.s32 @p2 $0x1  }
0x17: {  	s4 =	simm.s32 $0x1BF5;
	[smem:$0x3FB3] =	sst s0  }
0x18: {  	s0 =	sld [smem:$0x3F96];
	_ =	swait.ge [sflag:s4], $0x0  }
0x19: {  	s7 =	sld [smem:$0x3F97]  }
0x1a: {  	s8 =	sadd.s32 $0xFFFFE003, lr  }
0x1b: {  	s9 =	sadd.s32 $0xFFFFFEF7, lr;
	s5 =	simm.s32 $0xFFFFFFFF;
	p2 =	slt.u32 s8, $0xFFFFF086  }
0x1c: {  	p1 =	slt.u32 s9, $0xF7A;
	s5 =	simm.s32 @!p2 $0x0  }
0x1d: {  	s5 =	simm.s32 @p1 $0x1;
	p0 =	seq.s32 s7, s2  }
0x1e: {  	s7 =	smul.u32 @!p0 $0xF7A, s2;
	p2 =	seq.s32 @!p0 s5, $0x0  }
0x1f: {  	s9 =	smul.u32 $0xF7A, s1;
	s8 =	simm.s32 @!p0 $0x1BF5;
	p2 =	por !p2, p0  }
0x20: {  	[sflag:s8] =	ssyncset.s32 @!p0 $0xFFFFF086;
	s6 =	sadd.s32 @!p0 s3, s7;
	s7 =	simm.s32 @!p0 $0x108  }
0x21: {  	s3 =	sadd.s32 s3, s9;
	s6 =	sadd.s32 @!p0 $0x88, s6;
	s7 =	simm.s32 @p2 $0x1082  }
0x22: {  	[simem:s7], [sflag:s8] =	dma.local @!p0 [hbm:s6], $0xF7A  }
0x23: {  	s9 =	sor.u32 $0xD0000000, s2;
	s6 =	simm.s32 $0x108;
	_ =	swait.ge @!p0 [sflag:s8], $0x0  }
0x24: {  	s3 =	sadd.s32 $0x88, s3;
	s6 =	simm.s32 @!p1 $0x1082;
	[sflag:s4] =	ssyncset.s32 $0xFFFFF086  }
0x25: {  	[simem:s6], [sflag:s4] =	dma.local [hbm:s3], $0xF7A  }
0x26: {  	[smem:$0x3F97] =	sst s1;
	(tag) =	ssettag s2;
	_ =	strace s9  }
0x27: {  	s1 =	sld [smem:$0x3FA7]  }
0x28: {  	s2 =	sld [smem:$0x3FA8]  }
0x29: {  	s4 =	sld [smem:$0x3FAA]  }
0x2a: {  	p0 =	seq.s32 s5, $0x0;
	s5 =	sld [smem:$0x3FAB]  }
0x2b: {  	s6 =	sld [smem:$0x3FAC]  }
0x2c: {  	s7 =	sld [smem:$0x3FAD]  }
0x2d: {  	s3 =	simm.s32 $0x108;
	s8 =	sld [smem:$0x3FAE]  }
0x2e: {  	s3 =	simm.s32 @!p0 $0x1082;
	s9 =	sld [smem:$0x3FAF]  }
0x2f: {  	lr =	sadd.s32 s0, s3;
	s0 =	sld [smem:$0x3FA6]  }
0x30: {  	s3 =	sld [smem:$0x3FA9]  }
0x31: {  	[smem:$0x3FB2] =	sst s10  }
0x32: {  	s10 =	sld [smem:$0x3FB0];
	_ =	sdelay $0x3  }
0x33: {  	p0 =	seq.s32 s10, $0x1;
	s10 =	sld [smem:$0x3FB2];
	_ =	sdelay $0x3  }
0x34: {  	[smem:$0x3FB2] =	sst s10  }
0x35: {  	s10 =	sld [smem:$0x3FB1];
	_ =	sdelay $0x3  }
0x36: {  	p1 =	seq.s32 s10, $0x1;
	s10 =	sld [smem:$0x3FB2];
	_ =	sdelay $0x3  }
0x37: {  	[smem:$0x3FB2] =	sst s10  }
0x38: {  	s10 =	sld [smem:$0x3FB3]  }
0x39: {  	_ = 	snop;
	(pc) =	sbr.ind lr, $3  }
0x3a: {  	_ = 	snop  }
0x3b: {  	_ = 	snop  }
0x3c: {  	p2 =	seq.s32 s10, $0x1;
	s10 =	sld [smem:$0x3FB2]  }
0x3d: {  	_ =	shalt  }
0x3e: {  	_ =	shalt  }
0x3f: {  	_ =	shalt  }
0x40: {  	_ =	shalt  }
0x41: {  	_ =	shalt  }
0x42: {  	_ =	shalt  }
0x43: {  	_ =	shalt  }
0x44: {  	_ =	shalt  }
0x45: {  	_ =	shalt  }
0x46: {  	_ =	shalt  }
0x47: {  	_ =	shalt  }
0x48: {  	_ =	shalt  }
0x49: {  	_ =	shalt  }
0x4a: {  	_ =	shalt  }
0x4b: {  	_ =	shalt  }
0x4c: {  	_ =	shalt  }
0x4d: {  	_ =	shalt  }
0x4e: {  	_ =	shalt  }
0x4f: {  	_ =	shalt  }
0x50: {  	_ =	shalt  }
0x51: {  	_ =	shalt  }
0x52: {  	_ =	shalt  }
0x53: {  	_ =	shalt  }
0x54: {  	_ =	shalt  }
0x55: {  	_ =	shalt  }
0x56: {  	_ =	shalt  }
0x57: {  	_ =	shalt  }
0x58: {  	_ =	shalt  }
0x59: {  	_ =	shalt  }
0x5a: {  	_ =	shalt  }
0x5b: {  	_ =	shalt  }
0x5c: {  	_ =	shalt  }
0x5d: {  	_ =	shalt  }
0x5e: {  	_ =	shalt  }
0x5f: {  	_ =	shalt  }
0x60: {  	_ =	shalt  }
0x61: {  	_ =	shalt  }
0x62: {  	_ =	shalt  }
0x63: {  	_ =	shalt  }
0x64: {  	_ =	shalt  }
0x65: {  	_ =	shalt  }
0x66: {  	_ =	shalt  }
0x67: {  	_ =	shalt  }
0x68: {  	_ =	shalt  }
0x69: {  	_ =	shalt  }
0x6a: {  	_ =	shalt  }
0x6b: {  	_ =	shalt  }
0x6c: {  	_ =	shalt  }
0x6d: {  	_ =	shalt  }
0x6e: {  	_ =	shalt  }
0x6f: {  	_ =	shalt  }
0x70: {  	_ =	shalt  }
0x71: {  	_ =	shalt  }
0x72: {  	_ =	shalt  }
0x73: {  	_ =	shalt  }
0x74: {  	_ =	shalt  }
0x75: {  	_ =	shalt  }
0x76: {  	_ =	shalt  }
0x77: {  	_ =	shalt  }
0x78: {  	_ =	shalt  }
0x79: {  	_ =	shalt  }
0x7a: {  	_ =	shalt  }
0x7b: {  	_ =	shalt  }
0x7c: {  	_ =	shalt  }
0x7d: {  	_ =	shalt  }
0x7e: {  	_ =	shalt  }
0x7f: {  	_ =	shalt  }
0x80: {  	_ =	shalt  }
0x81: {  	_ =	shalt  }
0x82: {  	_ =	shalt  }
0x83: {  	_ =	shalt  }
0x84: {  	_ =	shalt  }
0x85: {  	_ =	shalt  }
0x86: {  	_ =	shalt  }
0x87: {  	_ =	shalt  }
.Lfunc_end0:
.L_simem_size_0:
called_computation_lowered:
.L_overlay_start_0:
0x88: {  	s2 =	sld [smem:$0x3FD9]  }
0x89: {  	s3 =	sld [smem:$0x3FFE];
	_ =	sdelay $0x1  }
0x8a: {  	s1 =	srdreg.scid  }
0x8b: {  	s0 =	sand.u32 $0x1, s1  }
0x8c: {  	s17 =	sshll.u32 s0, $0xA;
	s2 =	sadd.s32 s3, s2  }
0x8d: {  	s2 =	sadd.s32 s2, s17  }
0x8e: {  	[smem:$0x3FBE] =	sst s2  }
0x8f: {  	_ = 	snop  }
0x90: {  	s2 =	sld [smem:$0x3FC9];
	(tm) =	ssettm $0x1  }
0x91: {  	s18 =	sld [smem:$0x3FFB];
	_ =	sdelay $0x3  }
0x92: {  	_ =	strace s18  }
0x93: {  	s3 =	sld [smem:$0x3FFC];
	_ =	sdelay $0x3  }
0x94: {  	_ =	strace s3  }
0x95: {  	s3 =	sld [smem:$0x3FFD];
	_ =	sdelay $0x3  }
0x96: {  	_ =	strace s3  }
0x97: {  	_ =	strace $0x8FFFFFFF  }
0x98: {  	s19 =	sld [smem:$0x3FDB];
	_ =	sdelay $0x1  }
0x99: {  	s4 =	simm.s32 $_scs_section_size  }
0x9a: {  	s5 =	simm.s32 $_size__tile_overlayer_lowered;
	s6 =	simm.s32 $_tile_overlayer_lowered  }
0x9b: {  	s22 =	simm.s32 $0x1BFF;
	s21 =	sshll.u32 s6, $0x1;
	s3 =	sadd.s32 s4, s19  }
0x9c: {  	s7 =	simm.s32 $0x0;
	s20 =	sshll.u32 s5, $0x1;
	s5 =	sadd.s32 s21, s3  }
0x9d: {  	[timem:s7], [sflag:s22] =	dma.local [hbm:s5], s20  }
0x9e: {  	_ =	swait.ge [sflag:s22], s20  }
0x9f: {  	s4 =	ssub.s32 $0x0, s20;
	[sflag:s22] =	ssyncset.done $0x0  }
0xa0: {  	[sflag:s22] =	ssyncadd.s32 s4;
	_ =	sdelay $0x1  }
0xa1: {  	s23 =	simm.s32 $0x1B8B  }
0xa2: {  	_ =	swait.ge [sflag:s23], $0x1  }
0xa3: {  	[sflag:s23] =	ssyncset.done $0x0  }
0xa4: {  	s25 =	simm.s32 $0x1B8E;
	s24 =	sld [smem:$0x3FFE];
	[sflag:s23] =	ssyncadd.s32 $0xFFFFFFFF  }
0xa5: {  	s26 =	simm.s32 $execute0_lowered;
	[smem:$0x3FD2] =	sst s25  }
0xa6: {  	s5 =	sshll.u32 s26, $0x1;
	_ =	strace $0x80000046;
	[dreg:$0x1] =	wrdreg $0xFFFFFFFF  }
0xa7: {  	s28 =	simm.s32 $_size_execute0_lowered;
	s3 =	sadd.s32 s3, s5;
	[dreg:$0x0] =	wrdreg $0x0  }
0xa8: {  	s5 =	sshll.u32 s28, $0x1;
	[dreg:$0x2] =	wrdreg s3  }
0xa9: {  	[dreg:$0x3] =	wrdreg s5  }
0xaa: {  	[dreg:$0x4] =	wrdreg $0xC0  }
0xab: {  	_ =	task [dreg:s7], $0x5FFFF  }
0xac: {  	[dreg:$0x1] =	wrdreg $0xFFFFFFFF  }
0xad: {  	[dreg:$0x0] =	wrdreg $0x60  }
0xae: {  	[dreg:$0x2] =	wrdreg s24  }
0xaf: {  	[dreg:$0x3] =	wrdreg s2  }
0xb0: {  	[dreg:$0x4] =	wrdreg $0x0  }
0xb1: {  	[dreg:$0x5] =	wrdreg $0x9  }
0xb2: {  	_ =	task.clear_ibuf [dreg:s7], $0x6FFFF;
	_ =	strace $0x90000046  }
0xb3: {  	s29 =	simm.s32 $0x9;
	_ =	strace $0x80000048  }
0xb4: {  	_ =	swait.ge [sflag:s29], $0x1  }
0xb5: {  	[sflag:s29] =	ssyncadd.s32 $0xFFFFFFFF  }
0xb6: {  	_ =	strace $0x90000048  }
0xb7: {  	_ =	sfence  }
0xb8: {  	s30 =	sld [smem:$0x0];
	_ =	sdelay $0x2  }
0xb9: {  	s31 =	sshll.u32 s1, $0xD;
	s1 =	sshrl.u32 s1, $0x2  }
0xba: {  	s3 =	sand.u32 $0x4000, s31;
	s1 =	sadd.s32 s1, s30  }
0xbb: {  	s0 =	sor.u32 s3, s0;
	s1 =	sshll.u32 s1, $0x11  }
0xbc: {  	s0 =	sor.u32 s1, s0  }
0xbd: {  	s0 =	sadd.s32 $0x8F2B, s0  }
0xbe: {  	[sflag:s0] =	ssyncadd.remote.s32 $0x1  }
0xbf: {  	_ =	sfence.sel $0xFFFF  }
0xc0: {  	[dreg:$0x0] =	wrdreg $0xFFFFFFFF;
	(pc) =	sbr.abs _section_cstart, $3  }
0xc1: {  	[dreg:$0x1] =	wrdreg $0xFFFFFFFF  }
0xc2: {  	_ =	task.clear_ibuf [dreg:s7], $0x2FFFF;
	_ =	strace $0x9FFFFFFF  }
0xc3: {  	(tm) =	ssettm $0x7FFFFFFF  }
tec
execute0_lowered:
.L_overlay_start_1:
0x0: {  	(tag) =	ssettag $0x1  }
0x1: {  	s0 =	rddreg [dreg:$0x0]  }
0x2: {  	s2 =	rddreg [dreg:$0x1]  }
0x3: {  	s3 =	rddreg [dreg:$0x2]  }
0x4: {  	s13 =	stileid.u32;
	s23 =	simm.s32 $0x0;
	s4 =	srdreg.scid  }
0x5: {  	s15 =	simm.s32 $0xB;
	s17 =	simm.s32 $0x13880;
	s29 =	simm.s32 $0x19880  }
0x6: {  	s30 =	simm.s32 $0x1;
	s31 =	simm.s32 $0x2;
	s14 =	simm.s32 $0xA  }
0x7: {  	s18 =	simm.s32 $0x14800;
	s1 =	smul.u32 $0x13800, s13;
	[smem:$0x7FF] =	sst s23  }
0x8: {  	s4 =	sand.u32 $0x1, s4;
	s6 =	sadd.s32 $0x1A00, s0;
	s10 =	smul.u32 $0x4E000, s13  }
0x9: {  	s11 =	sadd.s32 $0x3C800, s0;
	s19 =	sshll.u32 s13, $0x1;
	s20 =	sshll.u32 s13, $0x6  }
0xa: {  	p0 =	sne.s32 s13, $0xF;
	s13 =	simm.s32 $0x9;
	_ =	strace $0x80000047  }
0xb: {  	s8 =	ssub.s32 $0x2, s4;
	s25 =	sor.u32 $0x1C0B, s20;
	s20 =	simm.s32 $0x14880  }
0xc: {  	s5 =	sshrl.u32 s1, $0x3;
	s9 =	sshrl.u32 s8, $0x1;
	s10 =	sshrl.u32 s10, $0x2  }
0xd: {  	[dreg:$0x6] =	wrdreg s25;
	s7 =	sadd.s32 s5, s0;
	s5 =	sadd.s32 $0xB800, s0  }
0xe: {  	s8 =	ssub.s32 s8, s9;
	s9 =	sor.u32 s4, s19;
	s4 =	smul.u32 $0x138800, s4  }
0xf: {  	s12 =	sadd.s32 s10, s3;
	s0 =	sadd.s32 $0x3C600, s0;
	s19 =	simm.s32 $0x28  }
0x10: {  	s7 =	sadd.s32 $0x15600, s7;
	[dreg:$0x7] =	wrdreg s0;
	s10 =	smul.u32 $0x2710, s9  }
0x11: {  	s26 =	smax.u32 s8, $0x1;
	s28 =	sshrl.u32 s12, $0x3;
	s9 =	simm.s32 $0x6  }
0x12: {  	s12 =	simm.s32 $0x8;
	[dreg:$0x5] =	wrdreg s7;
	s7 =	sadd.s32 $0x138000, s3  }
0x13: {  	s1 =	sadd.s32 s1, s4;
	s22 =	sshrl.u32 s4, $0x3;
	[dreg:$0xa] =	wrdreg s26  }
0x14: {  	s4 =	simm.s32 $0x14080;
	s26 =	simm.s32 $0x18480;
	[dreg:$0xb] =	wrdreg s28  }
0x15: {  	s21 =	sshrl.u32 s1, $0x3;
	s24 =	sadd.s32 s11, s22;
	s8 =	sshrl.u32 @!p0 s7, $0x3  }
0x16: {  	s22 =	simm.s32 $0x15C80;
	s1 =	simm.s32 $0x4;
	s7 =	simm.s32 $0x5  }
0x17: {  	s0 =	sadd.s32 s11, s21;
	s11 =	simm.s32 $0x7;
	[dreg:$0xc] =	wrdreg s8  }
0x18: {  	s21 =	simm.s32 $0x14828;
	[dreg:$0x8] =	wrdreg s0;
	s0 =	sadd.s32 $0x27000, s24  }
0x19: {  	s24 =	simm.s32 $0x17080;
	[dreg:$0x9] =	wrdreg s0;
	s0 =	simm.s32 $0x3  }
.LBB2_1:
0x1a: {  	[dreg:$0x4] =	wrdreg s23  }
0x1b: {  	s16 =	rddreg [dreg:$0x5]  }
0x1c: {  	[spmem:s28], [sflag:s25] =	dma.local [hbm:s16], $0x2700  }
0x1d: {  	_ =	swait.ge [sflag:s15], $0x2700  }
0x1e: {  	[sflag:s15] =	ssyncset.done $0x0  }
0x1f: {  	s23 =	simm.s32 @!p0 $0xB;
	s16 =	rddreg [dreg:$0x7];
	[sflag:s15] =	ssyncadd.s32 $0xFFFFD900  }
0x20: {  	[spmem:s8], [sflag:s25] =	dma.local @!p0 [hbm:s16], $0x100  }
0x21: {  	_ =	swait.ge @!p0 [sflag:s23], $0x100  }
0x22: {  	[sflag:s23] =	ssyncset.done @!p0 $0x0  }
0x23: {  	[sflag:s23] =	ssyncadd.s32 @!p0 $0xFFFFFF00  }
0x24: {  	s8 =	simm.s32 $0x138A8;
	s23 =	simm.s32 $0x0;
	[bflag:$0x0] =	sbarrier.arrive $0xFFFF  }
.LBB2_2:
0x25: {  	s25 =	smul.u32 $0x7D0, s23;
	_ =	sdelay $0x1  }
0x26: {  	s25 =	sadd.s32 s10, s25  }
0x27: {  	s25 =	sshrl.u32 s25, $0x3  }
0x28: {  	s16 =	simm.s32 $0x0;
	s28 =	sadd.s32 s5, s25  }
0x29: {  	[tilespmem:s17], [sflag:$0xB] =	stream.linear.gather [hbm4b:s28+s16], $0x7D0, $0x38;
	[tilespmem:$0x1AC80] =	vst v63  }
0x2a: {  	_ =	swait.ge [sflag:s15], $0x7D0  }
0x2b: {  	[sflag:s15] =	ssyncset.done $0x0  }
0x2c: {  	s25 =	sadd.s32 s6, s25;
	[sflag:s15] =	ssyncadd.s32 $0xFFFFF830  }
0x2d: {  	[tilespmem:s4], [sflag:$0xB] =	stream.linear.gather [hbm4b:s25+s16], $0x7D0, $0x38;
	[tilespmem:$0x1AC80] =	vst v63  }
0x2e: {  	_ =	swait.ge [sflag:s15], $0x7D0  }
0x2f: {  	[sflag:s15] =	ssyncset.done $0x0  }
0x30: {  	[sflag:s15] =	ssyncadd.s32 $0xFFFFF830  }
0x31: {  	[tilespmem:s20], [sflag:$0x1] =	stream.indirect.gather [hbm4b:s2+s19], $0x80, s17, s19, $0xb8;
	[tilespmem:$0x1AC80] =	vst v63  }
0x32: {  	_ = 	snop  }
0x33: {  	[tilespmem:s22], [sflag:$0x2] =	stream.indirect.gather [hbm4b:s2+s19], $0x80, s8, s19, $0xb8;
	[tilespmem:$0x1AC80] =	vst v63  }
0x34: {  	s25 =	simm.s32 $0x138D0  }
0x35: {  	[tilespmem:s24], [sflag:$0x3] =	stream.indirect.gather [hbm4b:s2+s19], $0x80, s25, s19, $0xb8;
	[tilespmem:$0x1AC80] =	vst v63  }
0x36: {  	s25 =	simm.s32 $0x138F8  }
0x37: {  	[tilespmem:s26], [sflag:$0x4] =	stream.indirect.gather [hbm4b:s2+s19], $0x80, s25, s19, $0xb8;
	[tilespmem:$0x1AC80] =	vst v63  }
0x38: {  	s25 =	simm.s32 $0x13920  }
0x39: {  	[tilespmem:s29], [sflag:$0x5] =	stream.indirect.gather [hbm4b:s2+s19], $0x80, s25, s19, $0xb8;
	[tilespmem:$0x1AC80] =	vst v63  }
0x3a: {  	_ =	swait.ge [sflag:s30], $0x1400  }
0x3b: {  	[sflag:s30] =	ssyncset.done $0x0  }
0x3c: {  	s25 =	simm.s32 $0x14080;
	[sflag:s30] =	ssyncadd.s32 $0xFFFFEC00  }
0x3d: {  	[spmem:s3] =	stream.indirect.scatter.add.f32 [tilespmem:s20], [sflag:$0x6], $0x80, s25, s19, $0xb8;
	[tilespmem:$0x1AC80] =	vst v63  }
0x3e: {  	_ =	swait.ge [sflag:s31], $0x1400  }
0x3f: {  	[sflag:s31] =	ssyncset.done $0x0  }
0x40: {  	s25 =	simm.s32 $0x140A8;
	[sflag:s31] =	ssyncadd.s32 $0xFFFFEC00  }
0x41: {  	[spmem:s3] =	stream.indirect.scatter.add.f32 [tilespmem:s22], [sflag:$0x7], $0x80, s25, s19, $0xb8;
	[tilespmem:$0x1AC80] =	vst v63  }
0x42: {  	_ =	swait.ge [sflag:s0], $0x1400  }
0x43: {  	[sflag:s0] =	ssyncset.done $0x0  }
0x44: {  	s25 =	simm.s32 $0x140D0;
	[sflag:s0] =	ssyncadd.s32 $0xFFFFEC00  }
0x45: {  	[spmem:s3] =	stream.indirect.scatter.add.f32 [tilespmem:s24], [sflag:$0x8], $0x80, s25, s19, $0xb8;
	[tilespmem:$0x1AC80] =	vst v63  }
0x46: {  	_ =	swait.ge [sflag:s1], $0x1400  }
0x47: {  	[sflag:s1] =	ssyncset.done $0x0  }
0x48: {  	s25 =	simm.s32 $0x140F8;
	[sflag:s1] =	ssyncadd.s32 $0xFFFFEC00  }
0x49: {  	[spmem:s3] =	stream.indirect.scatter.add.f32 [tilespmem:s26], [sflag:$0x9], $0x80, s25, s19, $0xb8;
	[tilespmem:$0x1AC80] =	vst v63  }
0x4a: {  	_ =	swait.ge [sflag:s7], $0x1400  }
0x4b: {  	[sflag:s7] =	ssyncset.done $0x0  }
0x4c: {  	s25 =	simm.s32 $0x14120;
	[sflag:s7] =	ssyncadd.s32 $0xFFFFEC00  }
0x4d: {  	[spmem:s3] =	stream.indirect.scatter.add.f32 [tilespmem:s29], [sflag:$0xA], $0x80, s25, s19, $0xb8;
	[tilespmem:$0x1AC80] =	vst v63  }
0x4e: {  	_ =	swait.ge [sflag:s9], $0x1400  }
0x4f: {  	[sflag:s9] =	ssyncset.done $0x0  }
0x50: {  	s25 =	simm.s32 $0x13948;
	[sflag:s9] =	ssyncadd.s32 $0xFFFFEC00  }
0x51: {  	[tilespmem:s20], [sflag:$0x1] =	stream.indirect.gather [hbm4b:s2+s19], $0x80, s25, s19, $0xb8;
	[tilespmem:$0x1AC80] =	vst v63  }
0x52: {  	_ =	swait.ge [sflag:s11], $0x1400  }
0x53: {  	[sflag:s11] =	ssyncset.done $0x0  }
0x54: {  	s25 =	simm.s32 $0x13970;
	[sflag:s11] =	ssyncadd.s32 $0xFFFFEC00  }
0x55: {  	[tilespmem:s22], [sflag:$0x2] =	stream.indirect.gather [hbm4b:s2+s19], $0x80, s25, s19, $0xb8;
	[tilespmem:$0x1AC80] =	vst v63  }
0x56: {  	_ =	swait.ge [sflag:s12], $0x1400  }
0x57: {  	[sflag:s12] =	ssyncset.done $0x0  }
0x58: {  	s25 =	simm.s32 $0x13998;
	[sflag:s12] =	ssyncadd.s32 $0xFFFFEC00  }
0x59: {  	[tilespmem:s24], [sflag:$0x3] =	stream.indirect.gather [hbm4b:s2+s19], $0x80, s25, s19, $0xb8;
	[tilespmem:$0x1AC80] =	vst v63  }
0x5a: {  	_ =	swait.ge [sflag:s13], $0x1400  }
0x5b: {  	[sflag:s13] =	ssyncset.done $0x0  }
0x5c: {  	s25 =	simm.s32 $0x139C0;
	[sflag:s13] =	ssyncadd.s32 $0xFFFFEC00  }
0x5d: {  	[tilespmem:s26], [sflag:$0x4] =	stream.indirect.gather [hbm4b:s2+s19], $0x80, s25, s19, $0xb8;
	[tilespmem:$0x1AC80] =	vst v63  }
0x5e: {  	_ =	swait.ge [sflag:s14], $0x1400  }
0x5f: {  	[sflag:s14] =	ssyncset.done $0x0  }
0x60: {  	s28 =	simm.s32 $0x139E8;
	s25 =	simm.s32 $0x320;
	[sflag:s14] =	ssyncadd.s32 $0xFFFFEC00  }
.LBB2_3:
0x61: {  	[tilespmem:s29], [sflag:$0x5] =	stream.indirect.gather [hbm4b:s2+s19], $0x80, s28, s19, $0xb8;
	[tilespmem:$0x1AC80] =	vst v63  }
0x62: {  	s16 =	smov.u32 s25  }
0x63: {  	p1 =	sne.s32 s25, $0x1900;
	s25 =	sadd.s32 $0x320, s25;
	_ =	swait.ge [sflag:s30], $0x1400  }
0x64: {  	s28 =	sshra.s32 s16, $0x2;
	[sflag:s30] =	ssyncset.done $0x0  }
0x65: {  	s16 =	sadd.s32 $0x14080, s28;
	[sflag:s30] =	ssyncadd.s32 $0xFFFFEC00  }
0x66: {  	[spmem:s3] =	stream.indirect.scatter.add.f32 [tilespmem:s20], [sflag:$0x6], $0x80, s16, s19, $0xb8;
	[tilespmem:$0x1AC80] =	vst v63  }
0x67: {  	_ =	swait.ge [sflag:s31], $0x1400  }
0x68: {  	[sflag:s31] =	ssyncset.done $0x0  }
0x69: {  	s16 =	sadd.s32 $0x140A8, s28;
	[sflag:s31] =	ssyncadd.s32 $0xFFFFEC00  }
0x6a: {  	[spmem:s3] =	stream.indirect.scatter.add.f32 [tilespmem:s22], [sflag:$0x7], $0x80, s16, s19, $0xb8;
	[tilespmem:$0x1AC80] =	vst v63  }
0x6b: {  	_ =	swait.ge [sflag:s0], $0x1400  }
0x6c: {  	[sflag:s0] =	ssyncset.done $0x0  }
0x6d: {  	s16 =	sadd.s32 $0x140D0, s28;
	[sflag:s0] =	ssyncadd.s32 $0xFFFFEC00  }
0x6e: {  	[spmem:s3] =	stream.indirect.scatter.add.f32 [tilespmem:s24], [sflag:$0x8], $0x80, s16, s19, $0xb8;
	[tilespmem:$0x1AC80] =	vst v63  }
0x6f: {  	_ =	swait.ge [sflag:s1], $0x1400  }
0x70: {  	[sflag:s1] =	ssyncset.done $0x0  }
0x71: {  	s16 =	sadd.s32 $0x140F8, s28;
	[sflag:s1] =	ssyncadd.s32 $0xFFFFEC00  }
0x72: {  	[spmem:s3] =	stream.indirect.scatter.add.f32 [tilespmem:s26], [sflag:$0x9], $0x80, s16, s19, $0xb8;
	[tilespmem:$0x1AC80] =	vst v63  }
0x73: {  	_ =	swait.ge [sflag:s7], $0x1400  }
0x74: {  	[sflag:s7] =	ssyncset.done $0x0  }
0x75: {  	s16 =	sadd.s32 $0x14120, s28;
	[sflag:s7] =	ssyncadd.s32 $0xFFFFEC00  }
0x76: {  	[spmem:s3] =	stream.indirect.scatter.add.f32 [tilespmem:s29], [sflag:$0xA], $0x80, s16, s19, $0xb8;
	[tilespmem:$0x1AC80] =	vst v63  }
0x77: {  	_ =	swait.ge [sflag:s9], $0x1400  }
0x78: {  	[sflag:s9] =	ssyncset.done $0x0  }
0x79: {  	s16 =	sadd.s32 $0x13948, s28;
	[sflag:s9] =	ssyncadd.s32 $0xFFFFEC00  }
0x7a: {  	[tilespmem:s20], [sflag:$0x1] =	stream.indirect.gather [hbm4b:s2+s19], $0x80, s16, s19, $0xb8;
	[tilespmem:$0x1AC80] =	vst v63  }
0x7b: {  	_ =	swait.ge [sflag:s11], $0x1400  }
0x7c: {  	[sflag:s11] =	ssyncset.done $0x0  }
0x7d: {  	s16 =	sadd.s32 $0x13970, s28;
	[sflag:s11] =	ssyncadd.s32 $0xFFFFEC00  }
0x7e: {  	[tilespmem:s22], [sflag:$0x2] =	stream.indirect.gather [hbm4b:s2+s19], $0x80, s16, s19, $0xb8;
	[tilespmem:$0x1AC80] =	vst v63  }
0x7f: {  	_ =	swait.ge [sflag:s12], $0x1400  }
0x80: {  	[sflag:s12] =	ssyncset.done $0x0  }
0x81: {  	s16 =	sadd.s32 $0x13998, s28;
	[sflag:s12] =	ssyncadd.s32 $0xFFFFEC00  }
0x82: {  	[tilespmem:s24], [sflag:$0x3] =	stream.indirect.gather [hbm4b:s2+s19], $0x80, s16, s19, $0xb8;
	[tilespmem:$0x1AC80] =	vst v63  }
0x83: {  	_ =	swait.ge [sflag:s13], $0x1400  }
0x84: {  	[sflag:s13] =	ssyncset.done $0x0  }
.Ltmp0:
0x85: {  	s16 =	sadd.s32 $0x139C0, s28;
	[sflag:s13] =	ssyncadd.s32 $0xFFFFEC00;
	(pc) =	sbr.rel @p1 .LBB2_3-.Ltmp0, $4  }
0x86: {  	[tilespmem:s26], [sflag:$0x4] =	stream.indirect.gather [hbm4b:s2+s19], $0x80, s16, s19, $0xb8;
	[tilespmem:$0x1AC80] =	vst v63  }
0x87: {  	_ =	swait.ge [sflag:s14], $0x1400  }
0x88: {  	[sflag:s14] =	ssyncset.done $0x0  }
0x89: {  	s28 =	sadd.s32 $0x139E8, s28;
	[sflag:s14] =	ssyncadd.s32 $0xFFFFEC00  }
0x8a: {  	[tilespmem:s29], [sflag:$0x5] =	stream.indirect.gather [hbm4b:s2+s19], $0x80, s28, s19, $0xb8;
	[tilespmem:$0x1AC80] =	vst v63  }
0x8b: {  	_ =	swait.ge [sflag:s30], $0x1400  }
0x8c: {  	[sflag:s30] =	ssyncset.done $0x0  }
0x8d: {  	s16 =	simm.s32 $0x14788;
	[sflag:s30] =	ssyncadd.s32 $0xFFFFEC00  }
0x8e: {  	[spmem:s3] =	stream.indirect.scatter.add.f32 [tilespmem:s20], [sflag:$0x6], $0x80, s16, s19, $0xb8;
	[tilespmem:$0x1AC80] =	vst v63  }
0x8f: {  	_ =	swait.ge [sflag:s31], $0x1400  }
0x90: {  	[sflag:s31] =	ssyncset.done $0x0  }
0x91: {  	s25 =	simm.s32 $0x147B0;
	[sflag:s31] =	ssyncadd.s32 $0xFFFFEC00  }
0x92: {  	[spmem:s3] =	stream.indirect.scatter.add.f32 [tilespmem:s22], [sflag:$0x7], $0x80, s25, s19, $0xb8;
	[tilespmem:$0x1AC80] =	vst v63  }
0x93: {  	_ =	swait.ge [sflag:s0], $0x1400  }
0x94: {  	[sflag:s0] =	ssyncset.done $0x0  }
0x95: {  	s28 =	simm.s32 $0x147D8;
	[sflag:s0] =	ssyncadd.s32 $0xFFFFEC00  }
0x96: {  	[spmem:s3] =	stream.indirect.scatter.add.f32 [tilespmem:s24], [sflag:$0x8], $0x80, s28, s19, $0xb8;
	[tilespmem:$0x1AC80] =	vst v63  }
0x97: {  	_ =	swait.ge [sflag:s1], $0x1400  }
0x98: {  	[sflag:s1] =	ssyncset.done $0x0  }
0x99: {  	[sflag:s1] =	ssyncadd.s32 $0xFFFFEC00  }
0x9a: {  	[spmem:s3] =	stream.indirect.scatter.add.f32 [tilespmem:s26], [sflag:$0x9], $0x80, s18, s19, $0xb8;
	[tilespmem:$0x1AC80] =	vst v63  }
0x9b: {  	_ =	swait.ge [sflag:s7], $0x1400  }
0x9c: {  	[sflag:s7] =	ssyncset.done $0x0  }
0x9d: {  	[sflag:s7] =	ssyncadd.s32 $0xFFFFEC00  }
0x9e: {  	[spmem:s3] =	stream.indirect.scatter.add.f32 [tilespmem:s29], [sflag:$0xA], $0x80, s21, s19, $0xb8;
	[tilespmem:$0x1AC80] =	vst v63  }
0x9f: {  	_ =	swait.ge [sflag:s9], $0x1400  }
0xa0: {  	[sflag:s9] =	ssyncset.done $0x0  }
0xa1: {  	[sflag:s9] =	ssyncadd.s32 $0xFFFFEC00  }
0xa2: {  	_ =	swait.ge [sflag:s11], $0x1400  }
0xa3: {  	[sflag:s11] =	ssyncset.done $0x0  }
0xa4: {  	[sflag:s11] =	ssyncadd.s32 $0xFFFFEC00  }
0xa5: {  	_ =	swait.ge [sflag:s12], $0x1400  }
0xa6: {  	[sflag:s12] =	ssyncset.done $0x0  }
0xa7: {  	s23 =	sadd.s32 $0x1, s23;
	[sflag:s12] =	ssyncadd.s32 $0xFFFFEC00  }
0xa8: {  	p1 =	sne.s32 s23, $0x5;
	_ =	swait.ge [sflag:s13], $0x1400  }
.Ltmp1:
0xa9: {  	[sflag:s13] =	ssyncset.done $0x0;
	(pc) =	sbr.rel @p1 .LBB2_2-.Ltmp1, $4  }
0xaa: {  	[sflag:s13] =	ssyncadd.s32 $0xFFFFEC00  }
0xab: {  	_ =	swait.ge [sflag:s14], $0x1400  }
0xac: {  	[sflag:s14] =	ssyncset.done $0x0  }
0xad: {  	[sflag:s14] =	ssyncadd.s32 $0xFFFFEC00  }
0xae: {  	[bflag:$0x0] =	sbarrier.arrive $0xFFFF  }
0xaf: {  	s25 =	rddreg [dreg:$0x6]  }
0xb0: {  	s16 =	rddreg [dreg:$0x8]  }
0xb1: {  	s4 =	rddreg [dreg:$0xb]  }
0xb2: {  	[hbm:s16], [sflag:s25] =	dma.local [spmem:s4], $0x2700  }
0xb3: {  	_ =	swait.ge [sflag:s15], $0x2700  }
0xb4: {  	[sflag:s15] =	ssyncset.done $0x0;
	s16 =	rddreg [dreg:$0x9]  }
0xb5: {  	s8 =	rddreg [dreg:$0xc];
	[sflag:s15] =	ssyncadd.s32 $0xFFFFD900  }
0xb6: {  	[hbm:s16], [sflag:s25] =	dma.local @!p0 [spmem:s8], $0x100  }
0xb7: {  	s16 =	simm.s32 @!p0 $0xB  }
0xb8: {  	_ =	swait.ge @!p0 [sflag:s16], $0x100  }
0xb9: {  	s23 =	rddreg [dreg:$0x4]  }
0xba: {  	s28 =	rddreg [dreg:$0xa];
	s23 =	sadd.s32 $0x1, s23  }
0xbb: {  	p1 =	sne.s32 s23, s28  }
.Ltmp2:
0xbc: {  	_ = 	snop;
	(pc) =	sbr.rel @p1 .LBB2_1-.Ltmp2, $3  }
0xbd: {  	_ =	sdelay $0x1  }
0xbe: {  	[sflag:s16] =	ssyncset.done @!p0 $0x0  }
0xbf: {  	[sflag:s16] =	ssyncadd.s32 @!p0 $0xFFFFFF00;
	s28 =	smov.u32 s4;
	s4 =	simm.s32 $0x14080  }
0xc0: {  	_ =	sfence.sel $0x180000  }
0xc1: {  	[bflag:$0x0] =	sbarrier.arrive $0xFFFF  }
0xc2: {  	_ =	strace $0x90000047  }
0xc3: {  	s0 =	stileid.u32;
	[bflag:$0x2] =	sbarrier.arrive $0xFFFF  }
0xc4: {  	p0 =	sne.s32 s0, $0x0;
	s0 =	rddreg [dreg:$0x3]  }
0xc5: {  	s0 =	sadd.s32 @!p0 $0x100000, s0  }
0xc6: {  	[sflag:s0] =	ssyncadd.tile.s32 @!p0 $0x1;
	_ =	shalt  }
.Lfunc_end2:
_tile_overlayer_lowered:
.L_overlay_start_2:
0xc7: {  	(tag) =	ssettag $0x2  }
0xc8: {  	s0 =	rddreg [dreg:$0x0];
	s2 =	stileid.u32  }
0xc9: {  	s1 =	rddreg [dreg:$0x1];
	p0 =	sne.s32 s2, $0x0  }
0xca: {  	s3 =	rddreg [dreg:$0x2];
	[bflag:$0x3] =	sbarrier.arrive $0xFFFF;
	s2 =	simm.s32 @!p0 $0x1C0B  }
0xcb: {  	[timem:s3], [sflag:s2] =	dma.local @!p0 [hbm:s0], s1  }
0xcc: {  	s0 =	simm.s32 @!p0 $0xB  }
0xcd: {  	_ =	swait.ge @!p0 [sflag:s0], s1  }
0xce: {  	s1 =	ssub.s32 @!p0 $0x0, s1;
	[sflag:s0] =	ssyncset.done @!p0 $0x0  }
0xcf: {  	[sflag:s0] =	ssyncadd.s32 @!p0 s1  }
0xd0: {  	[bflag:$0x3] =	sbarrier.arrive $0xFFFF  }
0xd1: {  	_ =	shalt  }

</sc_bundles>
